<compile_context>
chip_gen: v7x
topology: tpu7x:2x2x1
jax: 0.10.2.dev20260603
libtpu: 0.0.44.dev20260713+nightly
codegen_flags: <defaults>
</compile_context>

<pallas_src>
import functools

import jax
import jax.numpy as jnp
from jax import lax
from jax.experimental import pallas as pl
from jax.experimental.pallas import tpu as pltpu
from jax.experimental.pallas import tpu_sc as plsc

V = 128
B = 2048
LANES = 16
CHUNKS = V // LANES
SCALE = 4.0


@functools.lru_cache(maxsize=None)
def _build_gather_softmax():
    info = plsc.get_sparse_core_info()
    num_cores, num_subcores = info.num_cores, info.num_subcores
    num_workers = num_cores * num_subcores
    assert B % (8 * num_workers) == 0
    b_per_w = B // num_workers
    mesh = plsc.VectorSubcoreMesh(core_axis_name="c", subcore_axis_name="s")

    @functools.partial(
        pl.kernel,
        mesh=mesh,
        out_type=jax.ShapeDtypeStruct((B, V), jnp.float32),
        scratch_types=[
            pltpu.VMEM((b_per_w,), jnp.int32),
            pltpu.VMEM((b_per_w, V), jnp.float32),
            pltpu.SemaphoreType.DMA,
        ],
    )
    def gather_softmax(x_hbm, table_hbm, out_hbm, idx_v, rows_v, sem):
        wid = lax.axis_index("s") * num_cores + lax.axis_index("c")
        base = wid * b_per_w
        pltpu.sync_copy(x_hbm.at[pl.ds(base, b_per_w)], idx_v)
        pltpu.async_copy(table_hbm.at[idx_v], rows_v, sem).wait()

        iota = lax.iota(jnp.int32, LANES)
        perms = [iota ^ k for k in (1, 2, 4, 8)]

        def xlane(v, op):
            for p in perms:
                v = op(v, v.at[p].get(mode="promise_in_bounds"))
            return v

        @plsc.parallel_loop(0, b_per_w, step=1, unroll=4)
        def row_fn(r):
            vs = [rows_v[r, pl.ds(LANES * c, LANES)] for c in range(CHUNKS)]
            m = vs[0]
            for c in range(1, CHUNKS):
                m = jnp.maximum(m, vs[c])
            m = xlane(m, jnp.maximum)
            es = [jnp.exp((v - m) * SCALE) for v in vs]
            s = es[0]
            for c in range(1, CHUNKS):
                s = s + es[c]
            inv = 1.0 / xlane(s, lax.add)
            for c in range(CHUNKS):
                rows_v[r, pl.ds(LANES * c, LANES)] = es[c] * inv
        pltpu.sync_copy(rows_v, out_hbm.at[pl.ds(base, b_per_w)])

    return gather_softmax


def kernel(x_init, time_grid, table, source_p):
    del time_grid, source_p
    return _build_gather_softmax()(x_init, table)

# --- scband reference (transcript-rebuilt; emitter-appended) ---
"""Pipeline reference for scband-kinetic-optimal-discrete-euler-solver-29850022707391 (READ-ONLY COPY).

The authoritative reference and input builder live on the scoring server;
editing this copy changes nothing except your own understanding.
"""

import jax, jax.numpy as jnp
import numpy as np

V = 128
B = 2048
N_STEPS = 4  # ceil((t_final - t_init) / step_size) with time_grid = arange(5) -> [0..4], step_size = 1


def setup_inputs(seed: int = 0):
    key = jax.random.key(seed)
    k1, k2 = jax.random.split(key)
    x_init = jax.random.randint(k1, (B,), 0, V, dtype=jnp.int32)
    time_grid = jnp.arange(5, dtype=jnp.float32)
    table = jax.random.normal(k2, (V, V), dtype=jnp.float32)  # stand-in params for self.model
    source_p = jnp.ones((V,), dtype=jnp.float32) / V  # uniform source distribution (default branch)
    return {"x_init": x_init, "time_grid": time_grid, "table": table, "source_p": source_p}


def _model_logits(table, x_t, t):
    # stand-in for self.model(points, x_t, t.expand(B), None): per-token logit row, t-modulated
    return jnp.take(table, x_t, axis=0) * (1.0 + t)


def reference(x_init, time_grid, table, source_p):
    t0 = time_grid[0]
    t1 = time_grid[-1]
    t_disc = jnp.linspace(t0, t1, N_STEPS + 1)
    x_t = x_init
    key = jax.random.key(42)
    eye = jnp.eye(V, dtype=jnp.float32)
    out = None
    for i in range(N_STEPS):
        t = t_disc[i]
        h = t_disc[i + 1] - t_disc[i] if i < N_STEPS - 1 else jnp.float32(0.0)
        p_1t = jax.nn.softmax(_model_logits(table, x_t, t), axis=-1)
        key, ks, kj, kr = jax.random.split(key, 4)
        x_1 = jax.random.categorical(ks, jnp.log(p_1t + 1e-20), axis=-1)
        if i == N_STEPS - 1:
            out = p_1t  # torch code sets x_t = p_1t (probabilities) on the final step
        else:
            # linear MixtureDiscreteProbPath scheduler: alpha_t = t, d_alpha_t = 1
            k_t = t
            d_k_t = jnp.float32(1.0)
            delta_1 = jax.nn.one_hot(x_1, V, dtype=jnp.float32)
            p_t = (1.0 - k_t) * source_p[None, :] + k_t * delta_1
            p_t_dot = d_k_t * (delta_1 - source_p[None, :])
            j_t = jnp.clip(p_t[:, :, None] * p_t_dot[:, None, :] - p_t_dot[:, :, None] * p_t[:, None, :], 0.0, None)
            u_t = j_t / (p_t[:, None, :] + 1e-8)
            diag_terms = jnp.sum(u_t, axis=-1)
            u_t = u_t - eye[None, :, :] * diag_terms[:, :, None]  # diag_embed subtraction
            delta_t = jax.nn.one_hot(x_t, V, dtype=jnp.float32)
            intensity = jnp.sum(u_t * delta_t[:, :, None], axis=(-2, -1))
            mask_jump = jax.random.uniform(kr, intensity.shape) < (1.0 - jnp.exp(-h * intensity))
            rows = jnp.take_along_axis(u_t, x_t[:, None, None].astype(jnp.int32), axis=1)[:, 0, :]
            jump_rates = jnp.clip(rows, 0.0, None) + 1e-12
            x_jump = jax.random.categorical(kj, jnp.log(jump_rates), axis=-1).astype(x_t.dtype)
            x_t = jnp.where(mask_jump, x_jump, x_t)
    return out

if __name__ == "__main__":
    import jax
    _d = setup_inputs()
    print(jax.jit(kernel)(*tuple(_d.values())))

</pallas_src>

<mosaic_0001>
#map = affine_map<(d0, d1) -> (0)>
#map1 = affine_map<(d0, d1) -> (0, 0)>
module attributes {stable_mosaic.version = 14 : i64} {
  func.func @gather_softmax(%arg0: i32, %arg1: i32, %arg2: memref<2048xi32, #tpu.memory_space<hbm>>, %arg3: memref<128x128xf32, #tpu.memory_space<hbm>>, %arg4: memref<2048x128xf32, #tpu.memory_space<hbm>>, %arg5: memref<64xi32, #tpu.memory_space<vmem>>, %arg6: memref<64x128xf32, #tpu.memory_space<vmem>>, %arg7: memref<!tpu.dma_semaphore, #tpu.memory_space<semaphore_mem>>) attributes {dimension_semantics = [#tpu.dimension_semantics<core_parallel>, #tpu.dimension_semantics<subcore_parallel>], iteration_bounds = array<i64: 2, 16>, scalar_prefetch = 0 : i64, scratch_operands = 3 : i64, tpu.core_type = #tpu.core_type<sc_vector_subcore>, window_params = [{transform_indices = #map}, {transform_indices = #map1}, {transform_indices = #map1}]} {
    %mul3A = arith.constant 2 : i32
    %mul3A_0 = arith.muli %arg1, %mul3A : i32
    %add3A = arith.addi %mul3A_0, %arg0 : i32
    %mul3A_1 = arith.constant 64 : i32
    %mul3A_2 = arith.muli %add3A, %mul3A_1 : i32
    "tpu.region"() ({
      %run_scoped3A = tpu.sem_alloc : memref<!tpu.dma_semaphore, #tpu.memory_space<semaphore_mem>>
      %dma_start3A_20 = tpu.memref_slice %arg2[%mul3A_2] : memref<2048xi32, #tpu.memory_space<hbm>> -> memref<64xi32, #tpu.memory_space<hbm>>
      %dma_start3A_21 = tpu.memref_slice %arg2[%mul3A_2] : memref<2048xi32, #tpu.memory_space<hbm>> -> memref<64xi32, #tpu.memory_space<hbm>>
      tpu.enqueue_dma source(%dma_start3A_21 : memref<64xi32, #tpu.memory_space<hbm>>) target(%arg5 : memref<64xi32, #tpu.memory_space<vmem>>) target_semaphore(%run_scoped3A : memref<!tpu.dma_semaphore, #tpu.memory_space<semaphore_mem>>)
      %dma_wait3A_22 = tpu.memref_slice %arg2[%mul3A_2] : memref<2048xi32, #tpu.memory_space<hbm>> -> memref<64xi32, #tpu.memory_space<hbm>>
      %dma_wait3A_23 = tpu.memref_slice %arg2[%mul3A_2] : memref<2048xi32, #tpu.memory_space<hbm>> -> memref<64xi32, #tpu.memory_space<hbm>>
      tpu.wait_dma2 semaphore(%run_scoped3A : memref<!tpu.dma_semaphore, #tpu.memory_space<semaphore_mem>>) src(%dma_wait3A_23 : memref<64xi32, #tpu.memory_space<hbm>>) dst(%arg5 : memref<64xi32, #tpu.memory_space<vmem>>)
      tpu.yield
    }) : () -> ()
    %dma_start3A = arith.constant 0 : i32
    %dma_start3A_3 = arith.constant 0 : i32
    %dma_start3A_4 = tpu.memref_slice %arg3[%dma_start3A, %dma_start3A_3] : memref<128x128xf32, #tpu.memory_space<hbm>> -> memref<128x128xf32, #tpu.memory_space<hbm>>
    tpu.enqueue_indirect_dma source(%dma_start3A_4 : memref<128x128xf32, #tpu.memory_space<hbm>>) target(%arg6 : memref<64x128xf32, #tpu.memory_space<vmem>>) offsets(%arg5 : memref<64xi32, #tpu.memory_space<vmem>>) semaphore(%arg7 : memref<!tpu.dma_semaphore, #tpu.memory_space<semaphore_mem>>)
    %dma_wait3A = arith.constant 0 : i32
    %dma_wait3A_5 = arith.constant 0 : i32
    %dma_wait3A_6 = tpu.memref_slice %arg3[%dma_wait3A, %dma_wait3A_5] : memref<128x128xf32, #tpu.memory_space<hbm>> -> memref<128x128xf32, #tpu.memory_space<hbm>>
    tpu.wait_indirect_dma semaphore(%arg7 : memref<!tpu.dma_semaphore, #tpu.memory_space<semaphore_mem>>) src(%dma_wait3A_6 : memref<128x128xf32, #tpu.memory_space<hbm>>) dst(%arg6 : memref<64x128xf32, #tpu.memory_space<vmem>>)
    %iota3A = tpu.iota {dimensions = array<i32: 0>} : vector<16xi32>
    %xor3A = arith.constant 1 : i32
    %xor3A_7 = vector.broadcast %xor3A : i32 to vector<16xi32>
    %xor3A_8 = arith.xori %iota3A, %xor3A_7 : vector<16xi32>
    %xor3A_9 = arith.constant 2 : i32
    %xor3A_10 = vector.broadcast %xor3A_9 : i32 to vector<16xi32>
    %xor3A_11 = arith.xori %iota3A, %xor3A_10 : vector<16xi32>
    %xor3A_12 = arith.constant 4 : i32
    %xor3A_13 = vector.broadcast %xor3A_12 : i32 to vector<16xi32>
    %xor3A_14 = arith.xori %iota3A, %xor3A_13 : vector<16xi32>
    %xor3A_15 = arith.constant 8 : i32
    %xor3A_16 = vector.broadcast %xor3A_15 : i32 to vector<16xi32>
    %xor3A_17 = arith.xori %iota3A, %xor3A_16 : vector<16xi32>
    %parallel_loop3A = arith.constant 0 : i32
    %parallel_loop3A_18 = arith.constant 64 : i32
    %parallel_loop3A_19 = arith.constant 1 : i32
    scf.for %parallel_loop3A_20 = %parallel_loop3A to %parallel_loop3A_18 step %parallel_loop3A_19  : i32 {
      %parallel_loop3A_21 = arith.index_cast %parallel_loop3A_20 : i32 to index
      %parallel_loop3A_22 = arith.constant 0 : index
      %parallel_loop3A_23 = tpu.vector_load %arg6[%parallel_loop3A_21, %parallel_loop3A_22] {strides = array<i32>} : memref<64x128xf32, #tpu.memory_space<vmem>>, vector<1x16xf32>,
      %parallel_loop3A_24 = vector.shape_cast %parallel_loop3A_23 : vector<1x16xf32> to vector<16xf32>
      %parallel_loop3A_25 = arith.index_cast %parallel_loop3A_20 : i32 to index
      %parallel_loop3A_26 = arith.constant 16 : index
      %parallel_loop3A_27 = tpu.vector_load %arg6[%parallel_loop3A_25, %parallel_loop3A_26] {strides = array<i32>} : memref<64x128xf32, #tpu.memory_space<vmem>>, vector<1x16xf32>,
      %parallel_loop3A_28 = vector.shape_cast %parallel_loop3A_27 : vector<1x16xf32> to vector<16xf32>
      %parallel_loop3A_29 = arith.index_cast %parallel_loop3A_20 : i32 to index
      %parallel_loop3A_30 = arith.constant 32 : index
      %parallel_loop3A_31 = tpu.vector_load %arg6[%parallel_loop3A_29, %parallel_loop3A_30] {strides = array<i32>} : memref<64x128xf32, #tpu.memory_space<vmem>>, vector<1x16xf32>,
      %parallel_loop3A_32 = vector.shape_cast %parallel_loop3A_31 : vector<1x16xf32> to vector<16xf32>
      %parallel_loop3A_33 = arith.index_cast %parallel_loop3A_20 : i32 to index
      %parallel_loop3A_34 = arith.constant 48 : index
      %parallel_loop3A_35 = tpu.vector_load %arg6[%parallel_loop3A_33, %parallel_loop3A_34] {strides = array<i32>} : memref<64x128xf32, #tpu.memory_space<vmem>>, vector<1x16xf32>,
      %parallel_loop3A_36 = vector.shape_cast %parallel_loop3A_35 : vector<1x16xf32> to vector<16xf32>
      %parallel_loop3A_37 = arith.index_cast %parallel_loop3A_20 : i32 to index
      %parallel_loop3A_38 = arith.constant 64 : index
      %parallel_loop3A_39 = tpu.vector_load %arg6[%parallel_loop3A_37, %parallel_loop3A_38] {strides = array<i32>} : memref<64x128xf32, #tpu.memory_space<vmem>>, vector<1x16xf32>,
      %parallel_loop3A_40 = vector.shape_cast %parallel_loop3A_39 : vector<1x16xf32> to vector<16xf32>
      %parallel_loop3A_41 = arith.index_cast %parallel_loop3A_20 : i32 to index
      %parallel_loop3A_42 = arith.constant 80 : index
      %parallel_loop3A_43 = tpu.vector_load %arg6[%parallel_loop3A_41, %parallel_loop3A_42] {strides = array<i32>} : memref<64x128xf32, #tpu.memory_space<vmem>>, vector<1x16xf32>,
      %parallel_loop3A_44 = vector.shape_cast %parallel_loop3A_43 : vector<1x16xf32> to vector<16xf32>
      %parallel_loop3A_45 = arith.index_cast %parallel_loop3A_20 : i32 to index
      %parallel_loop3A_46 = arith.constant 96 : index
      %parallel_loop3A_47 = tpu.vector_load %arg6[%parallel_loop3A_45, %parallel_loop3A_46] {strides = array<i32>} : memref<64x128xf32, #tpu.memory_space<vmem>>, vector<1x16xf32>,
      %parallel_loop3A_48 = vector.shape_cast %parallel_loop3A_47 : vector<1x16xf32> to vector<16xf32>
      %parallel_loop3A_49 = arith.index_cast %parallel_loop3A_20 : i32 to index
      %parallel_loop3A_50 = arith.constant 112 : index
      %parallel_loop3A_51 = tpu.vector_load %arg6[%parallel_loop3A_49, %parallel_loop3A_50] {strides = array<i32>} : memref<64x128xf32, #tpu.memory_space<vmem>>, vector<1x16xf32>,
      %parallel_loop3A_52 = vector.shape_cast %parallel_loop3A_51 : vector<1x16xf32> to vector<16xf32>
      %parallel_loop3A_53 = arith.maximumf %parallel_loop3A_24, %parallel_loop3A_28 : vector<16xf32>
      %parallel_loop3A_54 = arith.maximumf %parallel_loop3A_53, %parallel_loop3A_32 : vector<16xf32>
      %parallel_loop3A_55 = arith.maximumf %parallel_loop3A_54, %parallel_loop3A_36 : vector<16xf32>
      %parallel_loop3A_56 = arith.maximumf %parallel_loop3A_55, %parallel_loop3A_40 : vector<16xf32>
      %parallel_loop3A_57 = arith.maximumf %parallel_loop3A_56, %parallel_loop3A_44 : vector<16xf32>
      %parallel_loop3A_58 = arith.maximumf %parallel_loop3A_57, %parallel_loop3A_48 : vector<16xf32>
      %parallel_loop3A_59 = arith.maximumf %parallel_loop3A_58, %parallel_loop3A_52 : vector<16xf32>
      %parallel_loop3A_60 = arith.constant 0 : i32
      %parallel_loop3A_61 = vector.broadcast %parallel_loop3A_60 : i32 to vector<16xi32>
      %parallel_loop3A_62 = arith.cmpi slt, %xor3A_8, %parallel_loop3A_61 : vector<16xi32>
      %parallel_loop3A_63 = arith.constant 16 : i32
      %parallel_loop3A_64 = vector.broadcast %parallel_loop3A_63 : i32 to vector<16xi32>
      %parallel_loop3A_65 = arith.addi %xor3A_8, %parallel_loop3A_64 : vector<16xi32>
      %parallel_loop3A_66 = arith.select %parallel_loop3A_62, %parallel_loop3A_65, %xor3A_8 : vector<16xi1>, vector<16xi32>
      %parallel_loop3A_67 = vector.shape_cast %parallel_loop3A_66 : vector<16xi32> to vector<16x1xi32>
      %parallel_loop3A_68 = vector.shape_cast %parallel_loop3A_67 : vector<16x1xi32> to vector<16xi32>
      %parallel_loop3A_69 = tpu.dynamic_gather %parallel_loop3A_59[%parallel_loop3A_68] in [0] : vector<16xf32>, vector<16xi32> -> vector<16xf32>
      %parallel_loop3A_70 = arith.maximumf %parallel_loop3A_59, %parallel_loop3A_69 : vector<16xf32>
      %parallel_loop3A_71 = arith.constant 0 : i32
      %parallel_loop3A_72 = vector.broadcast %parallel_loop3A_71 : i32 to vector<16xi32>
      %parallel_loop3A_73 = arith.cmpi slt, %xor3A_11, %parallel_loop3A_72 : vector<16xi32>
      %parallel_loop3A_74 = arith.constant 16 : i32
      %parallel_loop3A_75 = vector.broadcast %parallel_loop3A_74 : i32 to vector<16xi32>
      %parallel_loop3A_76 = arith.addi %xor3A_11, %parallel_loop3A_75 : vector<16xi32>
      %parallel_loop3A_77 = arith.select %parallel_loop3A_73, %parallel_loop3A_76, %xor3A_11 : vector<16xi1>, vector<16xi32>
      %parallel_loop3A_78 = vector.shape_cast %parallel_loop3A_77 : vector<16xi32> to vector<16x1xi32>
      %parallel_loop3A_79 = vector.shape_cast %parallel_loop3A_78 : vector<16x1xi32> to vector<16xi32>
      %parallel_loop3A_80 = tpu.dynamic_gather %parallel_loop3A_70[%parallel_loop3A_79] in [0] : vector<16xf32>, vector<16xi32> -> vector<16xf32>
      %parallel_loop3A_81 = arith.maximumf %parallel_loop3A_70, %parallel_loop3A_80 : vector<16xf32>
      %parallel_loop3A_82 = arith.constant 0 : i32
      %parallel_loop3A_83 = vector.broadcast %parallel_loop3A_82 : i32 to vector<16xi32>
      %parallel_loop3A_84 = arith.cmpi slt, %xor3A_14, %parallel_loop3A_83 : vector<16xi32>
      %parallel_loop3A_85 = arith.constant 16 : i32
      %parallel_loop3A_86 = vector.broadcast %parallel_loop3A_85 : i32 to vector<16xi32>
      %parallel_loop3A_87 = arith.addi %xor3A_14, %parallel_loop3A_86 : vector<16xi32>
      %parallel_loop3A_88 = arith.select %parallel_loop3A_84, %parallel_loop3A_87, %xor3A_14 : vector<16xi1>, vector<16xi32>
      %parallel_loop3A_89 = vector.shape_cast %parallel_loop3A_88 : vector<16xi32> to vector<16x1xi32>
      %parallel_loop3A_90 = vector.shape_cast %parallel_loop3A_89 : vector<16x1xi32> to vector<16xi32>
      %parallel_loop3A_91 = tpu.dynamic_gather %parallel_loop3A_81[%parallel_loop3A_90] in [0] : vector<16xf32>, vector<16xi32> -> vector<16xf32>
      %parallel_loop3A_92 = arith.maximumf %parallel_loop3A_81, %parallel_loop3A_91 : vector<16xf32>
      %parallel_loop3A_93 = arith.constant 0 : i32
      %parallel_loop3A_94 = vector.broadcast %parallel_loop3A_93 : i32 to vector<16xi32>
      %parallel_loop3A_95 = arith.cmpi slt, %xor3A_17, %parallel_loop3A_94 : vector<16xi32>
      %parallel_loop3A_96 = arith.constant 16 : i32
      %parallel_loop3A_97 = vector.broadcast %parallel_loop3A_96 : i32 to vector<16xi32>
      %parallel_loop3A_98 = arith.addi %xor3A_17, %parallel_loop3A_97 : vector<16xi32>
      %parallel_loop3A_99 = arith.select %parallel_loop3A_95, %parallel_loop3A_98, %xor3A_17 : vector<16xi1>, vector<16xi32>
      %parallel_loop3A_100 = vector.shape_cast %parallel_loop3A_99 : vector<16xi32> to vector<16x1xi32>
      %parallel_loop3A_101 = vector.shape_cast %parallel_loop3A_100 : vector<16x1xi32> to vector<16xi32>
      %parallel_loop3A_102 = tpu.dynamic_gather %parallel_loop3A_92[%parallel_loop3A_101] in [0] : vector<16xf32>, vector<16xi32> -> vector<16xf32>
      %parallel_loop3A_103 = arith.maximumf %parallel_loop3A_92, %parallel_loop3A_102 : vector<16xf32>
      %parallel_loop3A_104 = arith.subf %parallel_loop3A_24, %parallel_loop3A_103 : vector<16xf32>
      %parallel_loop3A_105 = arith.constant 4.000000e+00 : f32
      %parallel_loop3A_106 = vector.broadcast %parallel_loop3A_105 : f32 to vector<16xf32>
      %parallel_loop3A_107 = arith.mulf %parallel_loop3A_104, %parallel_loop3A_106 : vector<16xf32>
      %parallel_loop3A_108 = math.exp %parallel_loop3A_107 : vector<16xf32>
      %parallel_loop3A_109 = arith.subf %parallel_loop3A_28, %parallel_loop3A_103 : vector<16xf32>
      %parallel_loop3A_110 = arith.constant 4.000000e+00 : f32
      %parallel_loop3A_111 = vector.broadcast %parallel_loop3A_110 : f32 to vector<16xf32>
      %parallel_loop3A_112 = arith.mulf %parallel_loop3A_109, %parallel_loop3A_111 : vector<16xf32>
      %parallel_loop3A_113 = math.exp %parallel_loop3A_112 : vector<16xf32>
      %parallel_loop3A_114 = arith.subf %parallel_loop3A_32, %parallel_loop3A_103 : vector<16xf32>
      %parallel_loop3A_115 = arith.constant 4.000000e+00 : f32
      %parallel_loop3A_116 = vector.broadcast %parallel_loop3A_115 : f32 to vector<16xf32>
      %parallel_loop3A_117 = arith.mulf %parallel_loop3A_114, %parallel_loop3A_116 : vector<16xf32>
      %parallel_loop3A_118 = math.exp %parallel_loop3A_117 : vector<16xf32>
      %parallel_loop3A_119 = arith.subf %parallel_loop3A_36, %parallel_loop3A_103 : vector<16xf32>
      %parallel_loop3A_120 = arith.constant 4.000000e+00 : f32
      %parallel_loop3A_121 = vector.broadcast %parallel_loop3A_120 : f32 to vector<16xf32>
      %parallel_loop3A_122 = arith.mulf %parallel_loop3A_119, %parallel_loop3A_121 : vector<16xf32>
      %parallel_loop3A_123 = math.exp %parallel_loop3A_122 : vector<16xf32>
      %parallel_loop3A_124 = arith.subf %parallel_loop3A_40, %parallel_loop3A_103 : vector<16xf32>
      %parallel_loop3A_125 = arith.constant 4.000000e+00 : f32
      %parallel_loop3A_126 = vector.broadcast %parallel_loop3A_125 : f32 to vector<16xf32>
      %parallel_loop3A_127 = arith.mulf %parallel_loop3A_124, %parallel_loop3A_126 : vector<16xf32>
      %parallel_loop3A_128 = math.exp %parallel_loop3A_127 : vector<16xf32>
      %parallel_loop3A_129 = arith.subf %parallel_loop3A_44, %parallel_loop3A_103 : vector<16xf32>
      %parallel_loop3A_130 = arith.constant 4.000000e+00 : f32
      %parallel_loop3A_131 = vector.broadcast %parallel_loop3A_130 : f32 to vector<16xf32>
      %parallel_loop3A_132 = arith.mulf %parallel_loop3A_129, %parallel_loop3A_131 : vector<16xf32>
      %parallel_loop3A_133 = math.exp %parallel_loop3A_132 : vector<16xf32>
      %parallel_loop3A_134 = arith.subf %parallel_loop3A_48, %parallel_loop3A_103 : vector<16xf32>
      %parallel_loop3A_135 = arith.constant 4.000000e+00 : f32
      %parallel_loop3A_136 = vector.broadcast %parallel_loop3A_135 : f32 to vector<16xf32>
      %parallel_loop3A_137 = arith.mulf %parallel_loop3A_134, %parallel_loop3A_136 : vector<16xf32>
      %parallel_loop3A_138 = math.exp %parallel_loop3A_137 : vector<16xf32>
      %parallel_loop3A_139 = arith.subf %parallel_loop3A_52, %parallel_loop3A_103 : vector<16xf32>
      %parallel_loop3A_140 = arith.constant 4.000000e+00 : f32
      %parallel_loop3A_141 = vector.broadcast %parallel_loop3A_140 : f32 to vector<16xf32>
      %parallel_loop3A_142 = arith.mulf %parallel_loop3A_139, %parallel_loop3A_141 : vector<16xf32>
      %parallel_loop3A_143 = math.exp %parallel_loop3A_142 : vector<16xf32>
      %parallel_loop3A_144 = arith.addf %parallel_loop3A_108, %parallel_loop3A_113 : vector<16xf32>
      %parallel_loop3A_145 = arith.addf %parallel_loop3A_144, %parallel_loop3A_118 : vector<16xf32>
      %parallel_loop3A_146 = arith.addf %parallel_loop3A_145, %parallel_loop3A_123 : vector<16xf32>
      %parallel_loop3A_147 = arith.addf %parallel_loop3A_146, %parallel_loop3A_128 : vector<16xf32>
      %parallel_loop3A_148 = arith.addf %parallel_loop3A_147, %parallel_loop3A_133 : vector<16xf32>
      %parallel_loop3A_149 = arith.addf %parallel_loop3A_148, %parallel_loop3A_138 : vector<16xf32>
      %parallel_loop3A_150 = arith.addf %parallel_loop3A_149, %parallel_loop3A_143 : vector<16xf32>
      %parallel_loop3A_151 = arith.constant 0 : i32
      %parallel_loop3A_152 = vector.broadcast %parallel_loop3A_151 : i32 to vector<16xi32>
      %parallel_loop3A_153 = arith.cmpi slt, %xor3A_8, %parallel_loop3A_152 : vector<16xi32>
      %parallel_loop3A_154 = arith.constant 16 : i32
      %parallel_loop3A_155 = vector.broadcast %parallel_loop3A_154 : i32 to vector<16xi32>
      %parallel_loop3A_156 = arith.addi %xor3A_8, %parallel_loop3A_155 : vector<16xi32>
      %parallel_loop3A_157 = arith.select %parallel_loop3A_153, %parallel_loop3A_156, %xor3A_8 : vector<16xi1>, vector<16xi32>
      %parallel_loop3A_158 = vector.shape_cast %parallel_loop3A_157 : vector<16xi32> to vector<16x1xi32>
      %parallel_loop3A_159 = vector.shape_cast %parallel_loop3A_158 : vector<16x1xi32> to vector<16xi32>
      %parallel_loop3A_160 = tpu.dynamic_gather %parallel_loop3A_150[%parallel_loop3A_159] in [0] : vector<16xf32>, vector<16xi32> -> vector<16xf32>
      %parallel_loop3A_161 = arith.addf %parallel_loop3A_150, %parallel_loop3A_160 : vector<16xf32>
      %parallel_loop3A_162 = arith.constant 0 : i32
      %parallel_loop3A_163 = vector.broadcast %parallel_loop3A_162 : i32 to vector<16xi32>
      %parallel_loop3A_164 = arith.cmpi slt, %xor3A_11, %parallel_loop3A_163 : vector<16xi32>
      %parallel_loop3A_165 = arith.constant 16 : i32
      %parallel_loop3A_166 = vector.broadcast %parallel_loop3A_165 : i32 to vector<16xi32>
      %parallel_loop3A_167 = arith.addi %xor3A_11, %parallel_loop3A_166 : vector<16xi32>
      %parallel_loop3A_168 = arith.select %parallel_loop3A_164, %parallel_loop3A_167, %xor3A_11 : vector<16xi1>, vector<16xi32>
      %parallel_loop3A_169 = vector.shape_cast %parallel_loop3A_168 : vector<16xi32> to vector<16x1xi32>
      %parallel_loop3A_170 = vector.shape_cast %parallel_loop3A_169 : vector<16x1xi32> to vector<16xi32>
      %parallel_loop3A_171 = tpu.dynamic_gather %parallel_loop3A_161[%parallel_loop3A_170] in [0] : vector<16xf32>, vector<16xi32> -> vector<16xf32>
      %parallel_loop3A_172 = arith.addf %parallel_loop3A_161, %parallel_loop3A_171 : vector<16xf32>
      %parallel_loop3A_173 = arith.constant 0 : i32
      %parallel_loop3A_174 = vector.broadcast %parallel_loop3A_173 : i32 to vector<16xi32>
      %parallel_loop3A_175 = arith.cmpi slt, %xor3A_14, %parallel_loop3A_174 : vector<16xi32>
      %parallel_loop3A_176 = arith.constant 16 : i32
      %parallel_loop3A_177 = vector.broadcast %parallel_loop3A_176 : i32 to vector<16xi32>
      %parallel_loop3A_178 = arith.addi %xor3A_14, %parallel_loop3A_177 : vector<16xi32>
      %parallel_loop3A_179 = arith.select %parallel_loop3A_175, %parallel_loop3A_178, %xor3A_14 : vector<16xi1>, vector<16xi32>
      %parallel_loop3A_180 = vector.shape_cast %parallel_loop3A_179 : vector<16xi32> to vector<16x1xi32>
      %parallel_loop3A_181 = vector.shape_cast %parallel_loop3A_180 : vector<16x1xi32> to vector<16xi32>
      %parallel_loop3A_182 = tpu.dynamic_gather %parallel_loop3A_172[%parallel_loop3A_181] in [0] : vector<16xf32>, vector<16xi32> -> vector<16xf32>
      %parallel_loop3A_183 = arith.addf %parallel_loop3A_172, %parallel_loop3A_182 : vector<16xf32>
      %parallel_loop3A_184 = arith.constant 0 : i32
      %parallel_loop3A_185 = vector.broadcast %parallel_loop3A_184 : i32 to vector<16xi32>
      %parallel_loop3A_186 = arith.cmpi slt, %xor3A_17, %parallel_loop3A_185 : vector<16xi32>
      %parallel_loop3A_187 = arith.constant 16 : i32
      %parallel_loop3A_188 = vector.broadcast %parallel_loop3A_187 : i32 to vector<16xi32>
      %parallel_loop3A_189 = arith.addi %xor3A_17, %parallel_loop3A_188 : vector<16xi32>
      %parallel_loop3A_190 = arith.select %parallel_loop3A_186, %parallel_loop3A_189, %xor3A_17 : vector<16xi1>, vector<16xi32>
      %parallel_loop3A_191 = vector.shape_cast %parallel_loop3A_190 : vector<16xi32> to vector<16x1xi32>
      %parallel_loop3A_192 = vector.shape_cast %parallel_loop3A_191 : vector<16x1xi32> to vector<16xi32>
      %parallel_loop3A_193 = tpu.dynamic_gather %parallel_loop3A_183[%parallel_loop3A_192] in [0] : vector<16xf32>, vector<16xi32> -> vector<16xf32>
      %parallel_loop3A_194 = arith.addf %parallel_loop3A_183, %parallel_loop3A_193 : vector<16xf32>
      %parallel_loop3A_195 = arith.constant 1.000000e+00 : f32
      %parallel_loop3A_196 = vector.broadcast %parallel_loop3A_195 : f32 to vector<16xf32>
      %parallel_loop3A_197 = arith.divf %parallel_loop3A_196, %parallel_loop3A_194 : vector<16xf32>
      %parallel_loop3A_198 = arith.mulf %parallel_loop3A_108, %parallel_loop3A_197 : vector<16xf32>
      %parallel_loop3A_199 = arith.index_cast %parallel_loop3A_20 : i32 to index
      %parallel_loop3A_200 = arith.constant 0 : index
      %parallel_loop3A_201 = tpu.vector_load %arg6[%parallel_loop3A_199, %parallel_loop3A_200] {strides = array<i32>} : memref<64x128xf32, #tpu.memory_space<vmem>>, vector<1x16xf32>,
      %parallel_loop3A_202 = vector.shape_cast %parallel_loop3A_201 : vector<1x16xf32> to vector<16xf32>
      %parallel_loop3A_203 = vector.shape_cast %parallel_loop3A_198 : vector<16xf32> to vector<1x16xf32>
      tpu.vector_store %arg6[%parallel_loop3A_199, %parallel_loop3A_200], %parallel_loop3A_203 {strides = array<i32>} : memref<64x128xf32, #tpu.memory_space<vmem>>, vector<1x16xf32>,
      %parallel_loop3A_204 = arith.mulf %parallel_loop3A_113, %parallel_loop3A_197 : vector<16xf32>
      %parallel_loop3A_205 = arith.index_cast %parallel_loop3A_20 : i32 to index
      %parallel_loop3A_206 = arith.constant 16 : index
      %parallel_loop3A_207 = tpu.vector_load %arg6[%parallel_loop3A_205, %parallel_loop3A_206] {strides = array<i32>} : memref<64x128xf32, #tpu.memory_space<vmem>>, vector<1x16xf32>,
      %parallel_loop3A_208 = vector.shape_cast %parallel_loop3A_207 : vector<1x16xf32> to vector<16xf32>
      %parallel_loop3A_209 = vector.shape_cast %parallel_loop3A_204 : vector<16xf32> to vector<1x16xf32>
      tpu.vector_store %arg6[%parallel_loop3A_205, %parallel_loop3A_206], %parallel_loop3A_209 {strides = array<i32>} : memref<64x128xf32, #tpu.memory_space<vmem>>, vector<1x16xf32>,
      %parallel_loop3A_210 = arith.mulf %parallel_loop3A_118, %parallel_loop3A_197 : vector<16xf32>
      %parallel_loop3A_211 = arith.index_cast %parallel_loop3A_20 : i32 to index
      %parallel_loop3A_212 = arith.constant 32 : index
      %parallel_loop3A_213 = tpu.vector_load %arg6[%parallel_loop3A_211, %parallel_loop3A_212] {strides = array<i32>} : memref<64x128xf32, #tpu.memory_space<vmem>>, vector<1x16xf32>,
      %parallel_loop3A_214 = vector.shape_cast %parallel_loop3A_213 : vector<1x16xf32> to vector<16xf32>
      %parallel_loop3A_215 = vector.shape_cast %parallel_loop3A_210 : vector<16xf32> to vector<1x16xf32>
      tpu.vector_store %arg6[%parallel_loop3A_211, %parallel_loop3A_212], %parallel_loop3A_215 {strides = array<i32>} : memref<64x128xf32, #tpu.memory_space<vmem>>, vector<1x16xf32>,
      %parallel_loop3A_216 = arith.mulf %parallel_loop3A_123, %parallel_loop3A_197 : vector<16xf32>
      %parallel_loop3A_217 = arith.index_cast %parallel_loop3A_20 : i32 to index
      %parallel_loop3A_218 = arith.constant 48 : index
      %parallel_loop3A_219 = tpu.vector_load %arg6[%parallel_loop3A_217, %parallel_loop3A_218] {strides = array<i32>} : memref<64x128xf32, #tpu.memory_space<vmem>>, vector<1x16xf32>,
      %parallel_loop3A_220 = vector.shape_cast %parallel_loop3A_219 : vector<1x16xf32> to vector<16xf32>
      %parallel_loop3A_221 = vector.shape_cast %parallel_loop3A_216 : vector<16xf32> to vector<1x16xf32>
      tpu.vector_store %arg6[%parallel_loop3A_217, %parallel_loop3A_218], %parallel_loop3A_221 {strides = array<i32>} : memref<64x128xf32, #tpu.memory_space<vmem>>, vector<1x16xf32>,
      %parallel_loop3A_222 = arith.mulf %parallel_loop3A_128, %parallel_loop3A_197 : vector<16xf32>
      %parallel_loop3A_223 = arith.index_cast %parallel_loop3A_20 : i32 to index
      %parallel_loop3A_224 = arith.constant 64 : index
      %parallel_loop3A_225 = tpu.vector_load %arg6[%parallel_loop3A_223, %parallel_loop3A_224] {strides = array<i32>} : memref<64x128xf32, #tpu.memory_space<vmem>>, vector<1x16xf32>,
      %parallel_loop3A_226 = vector.shape_cast %parallel_loop3A_225 : vector<1x16xf32> to vector<16xf32>
      %parallel_loop3A_227 = vector.shape_cast %parallel_loop3A_222 : vector<16xf32> to vector<1x16xf32>
      tpu.vector_store %arg6[%parallel_loop3A_223, %parallel_loop3A_224], %parallel_loop3A_227 {strides = array<i32>} : memref<64x128xf32, #tpu.memory_space<vmem>>, vector<1x16xf32>,
      %parallel_loop3A_228 = arith.mulf %parallel_loop3A_133, %parallel_loop3A_197 : vector<16xf32>
      %parallel_loop3A_229 = arith.index_cast %parallel_loop3A_20 : i32 to index
      %parallel_loop3A_230 = arith.constant 80 : index
      %parallel_loop3A_231 = tpu.vector_load %arg6[%parallel_loop3A_229, %parallel_loop3A_230] {strides = array<i32>} : memref<64x128xf32, #tpu.memory_space<vmem>>, vector<1x16xf32>,
      %parallel_loop3A_232 = vector.shape_cast %parallel_loop3A_231 : vector<1x16xf32> to vector<16xf32>
      %parallel_loop3A_233 = vector.shape_cast %parallel_loop3A_228 : vector<16xf32> to vector<1x16xf32>
      tpu.vector_store %arg6[%parallel_loop3A_229, %parallel_loop3A_230], %parallel_loop3A_233 {strides = array<i32>} : memref<64x128xf32, #tpu.memory_space<vmem>>, vector<1x16xf32>,
      %parallel_loop3A_234 = arith.mulf %parallel_loop3A_138, %parallel_loop3A_197 : vector<16xf32>
      %parallel_loop3A_235 = arith.index_cast %parallel_loop3A_20 : i32 to index
      %parallel_loop3A_236 = arith.constant 96 : index
      %parallel_loop3A_237 = tpu.vector_load %arg6[%parallel_loop3A_235, %parallel_loop3A_236] {strides = array<i32>} : memref<64x128xf32, #tpu.memory_space<vmem>>, vector<1x16xf32>,
      %parallel_loop3A_238 = vector.shape_cast %parallel_loop3A_237 : vector<1x16xf32> to vector<16xf32>
      %parallel_loop3A_239 = vector.shape_cast %parallel_loop3A_234 : vector<16xf32> to vector<1x16xf32>
      tpu.vector_store %arg6[%parallel_loop3A_235, %parallel_loop3A_236], %parallel_loop3A_239 {strides = array<i32>} : memref<64x128xf32, #tpu.memory_space<vmem>>, vector<1x16xf32>,
      %parallel_loop3A_240 = arith.mulf %parallel_loop3A_143, %parallel_loop3A_197 : vector<16xf32>
      %parallel_loop3A_241 = arith.index_cast %parallel_loop3A_20 : i32 to index
      %parallel_loop3A_242 = arith.constant 112 : index
      %parallel_loop3A_243 = tpu.vector_load %arg6[%parallel_loop3A_241, %parallel_loop3A_242] {strides = array<i32>} : memref<64x128xf32, #tpu.memory_space<vmem>>, vector<1x16xf32>,
      %parallel_loop3A_244 = vector.shape_cast %parallel_loop3A_243 : vector<1x16xf32> to vector<16xf32>
      %parallel_loop3A_245 = vector.shape_cast %parallel_loop3A_240 : vector<16xf32> to vector<1x16xf32>
      tpu.vector_store %arg6[%parallel_loop3A_241, %parallel_loop3A_242], %parallel_loop3A_245 {strides = array<i32>} : memref<64x128xf32, #tpu.memory_space<vmem>>, vector<1x16xf32>,
    } {sc.loop_unroll_factor = 4 : i64, sc.parallel_access}
    "tpu.region"() ({
      %run_scoped3A = tpu.sem_alloc : memref<!tpu.dma_semaphore, #tpu.memory_space<semaphore_mem>>
      %dma_start3A_20 = arith.constant 0 : i32
      %dma_start3A_21 = tpu.memref_slice %arg4[%mul3A_2, %dma_start3A_20] : memref<2048x128xf32, #tpu.memory_space<hbm>> -> memref<64x128xf32, #tpu.memory_space<hbm>>
      %dma_start3A_22 = arith.constant 0 : i32
      %dma_start3A_23 = tpu.memref_slice %arg4[%mul3A_2, %dma_start3A_22] : memref<2048x128xf32, #tpu.memory_space<hbm>> -> memref<64x128xf32, #tpu.memory_space<hbm>>
      tpu.enqueue_dma source(%arg6 : memref<64x128xf32, #tpu.memory_space<vmem>>) target(%dma_start3A_23 : memref<64x128xf32, #tpu.memory_space<hbm>>) target_semaphore(%run_scoped3A : memref<!tpu.dma_semaphore, #tpu.memory_space<semaphore_mem>>)
      %dma_wait3A_24 = arith.constant 0 : i32
      %dma_wait3A_25 = tpu.memref_slice %arg4[%mul3A_2, %dma_wait3A_24] : memref<2048x128xf32, #tpu.memory_space<hbm>> -> memref<64x128xf32, #tpu.memory_space<hbm>>
      %dma_wait3A_26 = arith.constant 0 : i32
      %dma_wait3A_27 = tpu.memref_slice %arg4[%mul3A_2, %dma_wait3A_26] : memref<2048x128xf32, #tpu.memory_space<hbm>> -> memref<64x128xf32, #tpu.memory_space<hbm>>
      tpu.wait_dma2 semaphore(%run_scoped3A : memref<!tpu.dma_semaphore, #tpu.memory_space<semaphore_mem>>) src(%arg6 : memref<64x128xf32, #tpu.memory_space<vmem>>) dst(%dma_wait3A_27 : memref<64x128xf32, #tpu.memory_space<hbm>>)
      tpu.yield
    }) : () -> ()
    return
  }
}

</mosaic_0001>

<sc_bundles>
// kernel: kernel.3.cloned.1.call-start
scs
__scs_entry_jumppad:
0x0: {  	(pc) =	sbr.rel $0x88, $3  }
0x1: {  	(tag) =	ssettag $0x0;
	lr =	simm.s32 $0x1  }
0x2: {  	[smem:$0x3F9F] =	sst lr;
	_ =	strace $0xD0000000  }
0x3: {  	_ = 	snop  }
0x4: {  	_ = 	snop  }
0x5: {  	_ = 	snop  }
0x6: {  	_ = 	snop  }
0x7: {  	_ = 	snop  }
__scs_overlays_trampoline_lowered:
0x8: {  	[smem:$0x3FAE] =	sst s0  }
0x9: {  	[smem:$0x3FAF] =	sst s1  }
0xa: {  	[smem:$0x3FB0] =	sst s2  }
0xb: {  	[smem:$0x3FB1] =	sst s3  }
0xc: {  	[smem:$0x3FB2] =	sst s4  }
0xd: {  	[smem:$0x3FB3] =	sst s5  }
0xe: {  	[smem:$0x3FB4] =	sst s6  }
0xf: {  	[smem:$0x3FB5] =	sst s7  }
0x10: {  	[smem:$0x3FB6] =	sst s8  }
0x11: {  	[smem:$0x3FB7] =	sst s9;
	s0 =	simm.s32 @!p0 $0x0  }
0x12: {  	s1 =	sld [smem:$0x3F9D];
	s0 =	simm.s32 @p0 $0x1  }
0x13: {  	[smem:$0x3FB8] =	sst s0;
	s0 =	simm.s32 @!p1 $0x0  }
0x14: {  	s2 =	sld [smem:$0x3F9C];
	s0 =	simm.s32 @p1 $0x1  }
0x15: {  	[smem:$0x3FB9] =	sst s0;
	s0 =	simm.s32 @!p2 $0x0  }
0x16: {  	s3 =	sld [smem:$0x3FDB];
	s0 =	simm.s32 @p2 $0x1  }
0x17: {  	s4 =	simm.s32 $0x1BF5;
	[smem:$0x3FBB] =	sst s0  }
0x18: {  	s0 =	sld [smem:$0x3F9E];
	_ =	swait.ge [sflag:s4], $0x0  }
0x19: {  	s7 =	sld [smem:$0x3F9F]  }
0x1a: {  	s8 =	sadd.s32 $0xFFFFE003, lr  }
0x1b: {  	s9 =	sadd.s32 $0xFFFFFEF7, lr;
	s5 =	simm.s32 $0xFFFFFFFF;
	p2 =	slt.u32 s8, $0xFFFFF086  }
0x1c: {  	p1 =	slt.u32 s9, $0xF7A;
	s5 =	simm.s32 @!p2 $0x0  }
0x1d: {  	s5 =	simm.s32 @p1 $0x1;
	p0 =	seq.s32 s7, s2  }
0x1e: {  	s7 =	smul.u32 @!p0 $0xF7A, s2;
	p2 =	seq.s32 @!p0 s5, $0x0  }
0x1f: {  	s9 =	smul.u32 $0xF7A, s1;
	s8 =	simm.s32 @!p0 $0x1BF5;
	p2 =	por !p2, p0  }
0x20: {  	[sflag:s8] =	ssyncset.s32 @!p0 $0xFFFFF086;
	s6 =	sadd.s32 @!p0 s3, s7;
	s7 =	simm.s32 @!p0 $0x108  }
0x21: {  	s3 =	sadd.s32 s3, s9;
	s6 =	sadd.s32 @!p0 $0x88, s6;
	s7 =	simm.s32 @p2 $0x1082  }
0x22: {  	[simem:s7], [sflag:s8] =	dma.local @!p0 [hbm:s6], $0xF7A  }
0x23: {  	s9 =	sor.u32 $0xD0000000, s2;
	s6 =	simm.s32 $0x108;
	_ =	swait.ge @!p0 [sflag:s8], $0x0  }
0x24: {  	s3 =	sadd.s32 $0x88, s3;
	s6 =	simm.s32 @!p1 $0x1082;
	[sflag:s4] =	ssyncset.s32 $0xFFFFF086  }
0x25: {  	[simem:s6], [sflag:s4] =	dma.local [hbm:s3], $0xF7A  }
0x26: {  	[smem:$0x3F9F] =	sst s1;
	(tag) =	ssettag s2;
	_ =	strace s9  }
0x27: {  	s1 =	sld [smem:$0x3FAF]  }
0x28: {  	s2 =	sld [smem:$0x3FB0]  }
0x29: {  	s4 =	sld [smem:$0x3FB2]  }
0x2a: {  	p0 =	seq.s32 s5, $0x0;
	s5 =	sld [smem:$0x3FB3]  }
0x2b: {  	s6 =	sld [smem:$0x3FB4]  }
0x2c: {  	s7 =	sld [smem:$0x3FB5]  }
0x2d: {  	s3 =	simm.s32 $0x108;
	s8 =	sld [smem:$0x3FB6]  }
0x2e: {  	s3 =	simm.s32 @!p0 $0x1082;
	s9 =	sld [smem:$0x3FB7]  }
0x2f: {  	lr =	sadd.s32 s0, s3;
	s0 =	sld [smem:$0x3FAE]  }
0x30: {  	s3 =	sld [smem:$0x3FB1]  }
0x31: {  	[smem:$0x3FBA] =	sst s10  }
0x32: {  	s10 =	sld [smem:$0x3FB8];
	_ =	sdelay $0x3  }
0x33: {  	p0 =	seq.s32 s10, $0x1;
	s10 =	sld [smem:$0x3FBA];
	_ =	sdelay $0x3  }
0x34: {  	[smem:$0x3FBA] =	sst s10  }
0x35: {  	s10 =	sld [smem:$0x3FB9];
	_ =	sdelay $0x3  }
0x36: {  	p1 =	seq.s32 s10, $0x1;
	s10 =	sld [smem:$0x3FBA];
	_ =	sdelay $0x3  }
0x37: {  	[smem:$0x3FBA] =	sst s10  }
0x38: {  	s10 =	sld [smem:$0x3FBB]  }
0x39: {  	_ = 	snop;
	(pc) =	sbr.ind lr, $3  }
0x3a: {  	_ = 	snop  }
0x3b: {  	_ = 	snop  }
0x3c: {  	p2 =	seq.s32 s10, $0x1;
	s10 =	sld [smem:$0x3FBA]  }
0x3d: {  	_ =	shalt  }
0x3e: {  	_ =	shalt  }
0x3f: {  	_ =	shalt  }
0x40: {  	_ =	shalt  }
0x41: {  	_ =	shalt  }
0x42: {  	_ =	shalt  }
0x43: {  	_ =	shalt  }
0x44: {  	_ =	shalt  }
0x45: {  	_ =	shalt  }
0x46: {  	_ =	shalt  }
0x47: {  	_ =	shalt  }
0x48: {  	_ =	shalt  }
0x49: {  	_ =	shalt  }
0x4a: {  	_ =	shalt  }
0x4b: {  	_ =	shalt  }
0x4c: {  	_ =	shalt  }
0x4d: {  	_ =	shalt  }
0x4e: {  	_ =	shalt  }
0x4f: {  	_ =	shalt  }
0x50: {  	_ =	shalt  }
0x51: {  	_ =	shalt  }
0x52: {  	_ =	shalt  }
0x53: {  	_ =	shalt  }
0x54: {  	_ =	shalt  }
0x55: {  	_ =	shalt  }
0x56: {  	_ =	shalt  }
0x57: {  	_ =	shalt  }
0x58: {  	_ =	shalt  }
0x59: {  	_ =	shalt  }
0x5a: {  	_ =	shalt  }
0x5b: {  	_ =	shalt  }
0x5c: {  	_ =	shalt  }
0x5d: {  	_ =	shalt  }
0x5e: {  	_ =	shalt  }
0x5f: {  	_ =	shalt  }
0x60: {  	_ =	shalt  }
0x61: {  	_ =	shalt  }
0x62: {  	_ =	shalt  }
0x63: {  	_ =	shalt  }
0x64: {  	_ =	shalt  }
0x65: {  	_ =	shalt  }
0x66: {  	_ =	shalt  }
0x67: {  	_ =	shalt  }
0x68: {  	_ =	shalt  }
0x69: {  	_ =	shalt  }
0x6a: {  	_ =	shalt  }
0x6b: {  	_ =	shalt  }
0x6c: {  	_ =	shalt  }
0x6d: {  	_ =	shalt  }
0x6e: {  	_ =	shalt  }
0x6f: {  	_ =	shalt  }
0x70: {  	_ =	shalt  }
0x71: {  	_ =	shalt  }
0x72: {  	_ =	shalt  }
0x73: {  	_ =	shalt  }
0x74: {  	_ =	shalt  }
0x75: {  	_ =	shalt  }
0x76: {  	_ =	shalt  }
0x77: {  	_ =	shalt  }
0x78: {  	_ =	shalt  }
0x79: {  	_ =	shalt  }
0x7a: {  	_ =	shalt  }
0x7b: {  	_ =	shalt  }
0x7c: {  	_ =	shalt  }
0x7d: {  	_ =	shalt  }
0x7e: {  	_ =	shalt  }
0x7f: {  	_ =	shalt  }
0x80: {  	_ =	shalt  }
0x81: {  	_ =	shalt  }
0x82: {  	_ =	shalt  }
0x83: {  	_ =	shalt  }
0x84: {  	_ =	shalt  }
0x85: {  	_ =	shalt  }
0x86: {  	_ =	shalt  }
0x87: {  	_ =	shalt  }
.Lfunc_end0:
.L_simem_size_0:
called_computation_lowered:
.L_overlay_start_0:
0x88: {  	s2 =	sld [smem:$0x3FD9]  }
0x89: {  	s3 =	sld [smem:$0x3FFE];
	_ =	sdelay $0x1  }
0x8a: {  	s1 =	srdreg.scid  }
0x8b: {  	s0 =	sand.u32 $0x1, s1  }
0x8c: {  	s18 =	sshll.u32 s0, $0xA;
	s2 =	sadd.s32 s3, s2  }
0x8d: {  	s2 =	sadd.s32 s2, s18  }
0x8e: {  	[smem:$0x3FC6] =	sst s2  }
0x8f: {  	_ = 	snop  }
0x90: {  	s2 =	sld [smem:$0x3FC9]  }
0x91: {  	s19 =	sld [smem:$0x3FC8]  }
0x92: {  	s4 =	sld [smem:$0x3FD0];
	(tm) =	ssettm $0x1  }
0x93: {  	s5 =	sld [smem:$0x3FFB];
	_ =	sdelay $0x3  }
0x94: {  	_ =	strace s5  }
0x95: {  	s5 =	sld [smem:$0x3FFC];
	_ =	sdelay $0x3  }
0x96: {  	_ =	strace s5  }
0x97: {  	s5 =	sld [smem:$0x3FFD];
	_ =	sdelay $0x3  }
0x98: {  	_ =	strace s5  }
0x99: {  	_ =	strace $0x8FFFFFFF  }
0x9a: {  	s20 =	sld [smem:$0x3FDB];
	_ =	sdelay $0x1  }
0x9b: {  	s6 =	simm.s32 $_scs_section_size  }
0x9c: {  	s7 =	simm.s32 $_size__tile_overlayer_lowered;
	s8 =	simm.s32 $_tile_overlayer_lowered  }
0x9d: {  	s23 =	simm.s32 $0x1BFF;
	s22 =	sshll.u32 s8, $0x1;
	s5 =	sadd.s32 s6, s20  }
0x9e: {  	s9 =	simm.s32 $0x0;
	s21 =	sshll.u32 s7, $0x1;
	s7 =	sadd.s32 s22, s5  }
0x9f: {  	[timem:s9], [sflag:s23] =	dma.local [hbm:s7], s21  }
0xa0: {  	_ =	swait.ge [sflag:s23], s21  }
0xa1: {  	s6 =	ssub.s32 $0x0, s21;
	[sflag:s23] =	ssyncset.done $0x0  }
0xa2: {  	[sflag:s23] =	ssyncadd.s32 s6;
	_ =	sdelay $0x1  }
0xa3: {  	s24 =	simm.s32 $0x1B8B  }
0xa4: {  	_ =	swait.ge [sflag:s24], $0x1  }
0xa5: {  	[sflag:s24] =	ssyncset.done $0x0  }
0xa6: {  	s25 =	simm.s32 $0x1B8E;
	[sflag:s24] =	ssyncadd.s32 $0xFFFFFFFF  }
0xa7: {  	s26 =	simm.s32 $execute0_lowered;
	[smem:$0x3FD2] =	sst s25  }
0xa8: {  	s6 =	sshll.u32 s26, $0x1;
	_ =	strace $0x80000046;
	[dreg:$0x1] =	wrdreg $0xFFFFFFFF  }
0xa9: {  	s28 =	simm.s32 $_size_execute0_lowered;
	s5 =	sadd.s32 s5, s6;
	[dreg:$0x0] =	wrdreg $0x0  }
0xaa: {  	s6 =	sshll.u32 s28, $0x1;
	[dreg:$0x2] =	wrdreg s5  }
0xab: {  	[dreg:$0x3] =	wrdreg s6  }
0xac: {  	[dreg:$0x4] =	wrdreg $0xC0  }
0xad: {  	_ =	task [dreg:s9], $0x5FFFF  }
0xae: {  	[dreg:$0x1] =	wrdreg $0xFFFFFFFF  }
0xaf: {  	[dreg:$0x0] =	wrdreg $0x60  }
0xb0: {  	[dreg:$0x2] =	wrdreg s2  }
0xb1: {  	[dreg:$0x3] =	wrdreg s19  }
0xb2: {  	[dreg:$0x4] =	wrdreg s4  }
0xb3: {  	[dreg:$0x5] =	wrdreg $0x9  }
0xb4: {  	_ =	task.clear_ibuf [dreg:s9], $0x6FFFF;
	_ =	strace $0x90000046  }
0xb5: {  	s29 =	simm.s32 $0x9;
	_ =	strace $0x80000048  }
0xb6: {  	_ =	swait.ge [sflag:s29], $0x1  }
0xb7: {  	[sflag:s29] =	ssyncadd.s32 $0xFFFFFFFF  }
0xb8: {  	_ =	strace $0x90000048  }
0xb9: {  	_ =	sfence  }
0xba: {  	s30 =	sld [smem:$0x0];
	_ =	sdelay $0x2  }
0xbb: {  	s31 =	sshll.u32 s1, $0xD;
	s1 =	sshrl.u32 s1, $0x2  }
0xbc: {  	s3 =	sand.u32 $0x4000, s31;
	s1 =	sadd.s32 s1, s30  }
0xbd: {  	s0 =	sor.u32 s3, s0;
	s1 =	sshll.u32 s1, $0x11  }
0xbe: {  	s0 =	sor.u32 s1, s0  }
0xbf: {  	s0 =	sadd.s32 $0x8F2B, s0  }
0xc0: {  	[sflag:s0] =	ssyncadd.remote.s32 $0x1  }
0xc1: {  	_ =	sfence.sel $0xFFFF  }
0xc2: {  	[dreg:$0x0] =	wrdreg $0xFFFFFFFF;
	(pc) =	sbr.abs _section_cstart, $3  }
0xc3: {  	[dreg:$0x1] =	wrdreg $0xFFFFFFFF  }
0xc4: {  	_ =	task.clear_ibuf [dreg:s9], $0x2FFFF;
	_ =	strace $0x9FFFFFFF  }
0xc5: {  	(tm) =	ssettm $0x7FFFFFFF  }
tec
execute0_lowered:
.L_overlay_start_1:
0x0: {  	(tag) =	ssettag $0x1  }
0x1: {  	v0 =	vimm.s32 $0xEFCDAB89  }
0x2: {  	v1 =	vimm.s32 $0x67452301;
	v2 =	vimm.s32 $0xDCFE98BA;
	s4 =	rddreg [dreg:$0x0];
	v3 =	vimm.s32 $0x54761032  }
0x3: {  	s1 =	rddreg [dreg:$0x1];
	v4 =	vimm.s32 $0xBA98FEDC;
	v5 =	vimm.s32 $0x32107654;
	v6 =	vimm.s32 $0xFEDCBA98  }
0x4: {  	s5 =	rddreg [dreg:$0x2];
	v7 =	vimm.s32 $0x76543210;
	v0 =	vunpack.c.l.s4.s8 v0;
	v1 =	vunpack.c.l.s4.s8 v1  }
0x5: {  	s0 =	rddreg [dreg:$0x3];
	s6 =	srdreg.scid;
	v2 =	vunpack.c.l.s4.s8 v2;
	v3 =	vunpack.c.l.s4.s8 v3;
	v4 =	vunpack.c.l.s4.s8 v4  }
0x6: {  	s3 =	simm.s32 $0x0;
	s2 =	stileid.u32;
	s10 =	simm.s32 $0x1;
	v5 =	vunpack.c.l.s4.s8 v5;
	v6 =	vunpack.c.l.s4.s8 v6;
	v7 =	vunpack.c.l.s4.s8 v7  }
0x7: {  	s11 =	simm.s32 $0x0;
	s6 =	sand.u32 $0x1, s6;
	[smem:$0x7FF] =	sst s3;
	v0 =	vunpack.c.0.s8.s32 v0;
	v1 =	vunpack.c.0.s8.s32 v1;
	v2 =	vunpack.c.0.s8.s32 v2  }
0x8: {  	s7 =	sshll.u32 s2, $0x7;
	s8 =	sshll.u32 s6, $0x6;
	s6 =	ssub.s32 $0x2, s6;
	v3 =	vunpack.c.0.s8.s32 v3;
	v4 =	vunpack.c.0.s8.s32 v4;
	v5 =	vunpack.c.0.s8.s32 v5  }
0x9: {  	_ =	strace $0x80000047;
	s7 =	sor.u32 s8, s7;
	s31 =	sshrl.u32 s6, $0x1;
	v0 =	vcombine.low v1, v0;
	v1 =	vunpack.c.0.s8.s32 v6  }
0xa: {  	s8 =	simm.s32 $0x40;
	s9 =	sshrl.u32 s7, $0x3;
	s7 =	sshll.u32 s7, $0x4;
	v2 =	vcombine.low v3, v2;
	v3 =	vcombine.low v5, v4;
	v4 =	vunpack.c.0.s8.s32 v7  }
0xb: {  	s6 =	ssub.s32 s6, s31;
	s4 =	sadd.s32 s4, s9;
	s5 =	sadd.s32 s5, s7;
	v0 =	vand.u32 $0xF, v0;
	v5 =	vand.u32 $0xF, v1  }
0xc: {  	s6 =	smax.u32 s6, $0x1;
	s7 =	simm.s32 $0x2;
	s9 =	simm.s32 $0x80;
	v1 =	vand.u32 $0xF, v2;
	v2 =	vand.u32 $0xF, v3;
	v3 =	vcombine.low v5, v4  }
.LBB2_1:
0xd: {  	[tilespmem:s3], [sflag:$0x2] =	stream.linear.gather [hbm4b:s4+s3], $0x40, $0x38;
	[tilespmem:$0x2080] =	vst v63  }
0xe: {  	_ =	swait.ge [sflag:s7], $0x40  }
0xf: {  	[sflag:s7] =	ssyncset.done $0x0  }
0x10: {  	[sflag:s7] =	ssyncadd.s32 $0xFFFFFFC0  }
0x11: {  	[tilespmem:s9], [sflag:$0x1] =	stream.indirect.gather [hbm4b:s1+s8], $0x80, s3, s8, $0xb8;
	[tilespmem:$0x2080] =	vst v63  }
0x12: {  	_ =	swait.ge [sflag:s10], $0x2000  }
0x13: {  	[sflag:s10] =	ssyncset.done $0x0  }
0x14: {  	s12 =	simm.s32 $0x180;
	[sflag:s10] =	ssyncadd.s32 $0xFFFFE000  }
0x15: {  	v4 =	vld [tilespmem:s12+$0x80]  }
0x16: {  	v5 =	vld [tilespmem:s12+$0x90]  }
0x17: {  	v6 =	vld [tilespmem:s12+$0xA0]  }
0x18: {  	v7 =	vld [tilespmem:s12+$0xB0]  }
0x19: {  	v8 =	vld [tilespmem:s12+$0xC0]  }
0x1a: {  	v14 =	vld [tilespmem:s12+$0xD0]  }
0x1b: {  	v22 =	vld [tilespmem:s12+$0xE0];
	v9 =	vmax.f32 v4, v5  }
0x1c: {  	v23 =	vld [tilespmem:s12+$0xF0];
	v9 =	vmax.f32 v9, v6  }
0x1d: {  	v9 =	vmax.f32 v9, v7  }
0x1e: {  	v9 =	vmax.f32 v9, v8  }
0x1f: {  	v9 =	vmax.f32 v9, v14  }
0x20: {  	v24 =	vld [tilespmem:s12+$0xFFFFFF10];
	v9 =	vmax.f32 v9, v22  }
0x21: {  	v25 =	vld [tilespmem:s12+$0xFFFFFF80];
	v9 =	vmax.f32 v9, v23  }
0x22: {  	v26 =	vld [tilespmem:s12+$0xFFFFFF90];
	v10 =	vperm.xlane v9, v0  }
0x23: {  	v29 =	vld [tilespmem:s12+$0x0]  }
0x24: {  	v32 =	vld [tilespmem:s12+$0x10];
	v9 =	vmax.f32 v9, v10  }
0x25: {  	v31 =	vld [tilespmem:s12+$0xFFFFFF00];
	v10 =	vperm.xlane v9, v1  }
0x26: {  	v21 =	vld [tilespmem:s12+$0xFFFFFF20]  }
0x27: {  	v19 =	vld [tilespmem:s12+$0xFFFFFFA0];
	v9 =	vmax.f32 v9, v10  }
0x28: {  	v17 =	vld [tilespmem:s12+$0x20];
	v10 =	vperm.xlane v9, v2  }
0x29: {  	v16 =	vld [tilespmem:s12+$0xFFFFFF30]  }
0x2a: {  	v20 =	vld [tilespmem:s12+$0xFFFFFFB0];
	v10 =	vmax.f32 v9, v10  }
0x2b: {  	v11 =	vperm.xlane v10, v3  }
0x2c: {  	v12 =	vmax.f32 v25, v26;
	v13 =	vmax.f32 v31, v24  }
0x2d: {  	v15 =	vld [tilespmem:s12+$0x30];
	v13 =	vmax.f32 v13, v21;
	v12 =	vmax.f32 v12, v19;
	v27 =	vmax.f32 v10, v11  }
0x2e: {  	v18 =	vld [tilespmem:s12+$0x40];
	v13 =	vmax.f32 v13, v16;
	v10 =	vmax.f32 v29, v32;
	v4 =	vsub.f32 v4, v27  }
0x2f: {  	v30 =	vmax.f32 v12, v20;
	v12 =	vld [tilespmem:s12+$0xFFFFFFD0];
	v28 =	vmax.f32 v10, v17;
	v5 =	vsub.f32 v5, v27  }
0x30: {  	v9 =	vld [tilespmem:s12+$0xFFFFFF40];
	v6 =	vsub.f32 v6, v27;
	v34 =	vsub.f32 v7, v27;
	v4 =	vmul.f32 $4.000000000e+00, v4  }
0x31: {  	v11 =	vld [tilespmem:s12+$0xFFFFFFC0];
	v35 =	vsub.f32 v8, v27;
	v36 =	vsub.f32 v14, v27;
	v5 =	vmul.f32 $4.000000000e+00, v5  }
0x32: {  	v10 =	vld [tilespmem:s12+$0xFFFFFF50];
	v22 =	vsub.f32 v22, v27;
	v6 =	vmul.f32 $4.000000000e+00, v6;
	v4 =	vmul.f32 $1.442695020e+00, v4  }
0x33: {  	v7 =	vld [tilespmem:s12+$0xFFFFFF60];
	v23 =	vsub.f32 v23, v27;
	v34 =	vmul.f32 $4.000000000e+00, v34;
	v35 =	vmul.f32 $4.000000000e+00, v35  }
0x34: {  	v28 =	vmax.f32 v28, v15;
	v5 =	vmul.f32 $1.442695020e+00, v5;
	(erf) = vpow2.f32 v4;
	v4 =	vld [tilespmem:s12+$0xFFFFFF70]  }
0x35: {  	v8 =	vld [tilespmem:s12+$0xFFFFFFE0];
	v33 =	vmax.f32 v13, v9;
	v36 =	vmul.f32 $4.000000000e+00, v36;
	v22 =	vmul.f32 $4.000000000e+00, v22  }
0x36: {  	v13 =	vld [tilespmem:s12+$0x50];
	v28 =	vmax.f32 v28, v18;
	v6 =	vmul.f32 $1.442695020e+00, v6;
	(erf) = vpow2.f32 v5  }
0x37: {  	v14 =	vld [tilespmem:s12+$0x60];
	v23 =	vmul.f32 $4.000000000e+00, v23;
	v34 =	vmul.f32 $1.442695020e+00, v34;
	v33 =	vmax.f32 v33, v10  }
0x38: {  	v35 =	vmul.f32 $1.442695020e+00, v35;
	v33 =	vmax.f32 v33, v7;
	v5 =	vld [tilespmem:s12+$0xFFFFFFF0];
	(erf) = vpow2.f32 v6  }
0x39: {  	v41 =	vmul.f32 $1.442695020e+00, v36;
	v22 =	vmul.f32 $1.442695020e+00, v22;
	v6 =	vld [tilespmem:s12+$0x70];
	v27 =	vmax.f32 v33, v4  }
0x3a: {  	v30 =	vmax.f32 v30, v11;
	(erf) = vpow2.f32 v34;
	v42 =	vperm.xlane v27, v0  }
0x3b: {  	v23 =	vmul.f32 $1.442695020e+00, v23;
	v30 =	vmax.f32 v30, v12;
	v28 =	vmax.f32 v28, v13  }
0x3c: {  	v30 =	vmax.f32 v30, v8;
	(erf) = vpow2.f32 v35;
	v34 =	vmax.f32 v27, v42  }
0x3d: {  	v28 =	vmax.f32 v28, v14;
	v30 =	vmax.f32 v30, v5;
	v37 =	vperm.xlane v34, v1  }
0x3e: {  	(erf) = vpow2.f32 v41;
	v28 =	vmax.f32 v28, v6;
	v44 =	vperm.xlane v30, v0;
	v43 =	vpop (erf)  }
0x3f: {  	(erf) = vpow2.f32 v22;
	v22 =	vperm.xlane v28, v0;
	v27 =	vpop (erf);
	v34 =	vmax.f32 v34, v37  }
0x40: {  	v30 =	vmax.f32 v30, v44;
	v36 =	vadd.f32 v27, v43;
	v37 =	vperm.xlane v34, v2  }
0x41: {  	(erf) = vpow2.f32 v23;
	v22 =	vmax.f32 v28, v22;
	v23 =	vperm.xlane v30, v1;
	[tilespmem:$0x1FF50] =	vst v27;
	v27 =	vpop (erf)  }
0x42: {  	v46 =	vperm.xlane v22, v1;
	v45 =	vadd.f32 v36, v27;
	v34 =	vmax.f32 v34, v37  }
0x43: {  	[tilespmem:$0x1FF60] =	vst v27;
	v23 =	vmax.f32 v30, v23;
	v27 =	vpop (erf);
	v37 =	vperm.xlane v34, v3  }
0x44: {  	v38 =	vperm.xlane v23, v2;
	v22 =	vmax.f32 v22, v46;
	v35 =	vadd.f32 v45, v27  }
0x45: {  	[tilespmem:$0x1FF70] =	vst v27;
	v36 =	vperm.xlane v22, v2;
	v27 =	vpop (erf);
	v34 =	vmax.f32 v34, v37  }
0x46: {  	v23 =	vmax.f32 v23, v38;
	v35 =	vadd.f32 v35, v27;
	v37 =	vsub.f32 v31, v34  }
0x47: {  	v38 =	vperm.xlane v23, v3;
	v24 =	vsub.f32 v24, v34;
	v21 =	vsub.f32 v21, v34  }
0x48: {  	v22 =	vmax.f32 v22, v36;
	v16 =	vsub.f32 v16, v34;
	v9 =	vsub.f32 v9, v34  }
0x49: {  	[tilespmem:$0x1FF80] =	vst v27;
	v27 =	vpop (erf);
	v36 =	vperm.xlane v22, v3;
	v10 =	vsub.f32 v10, v34;
	v7 =	vsub.f32 v7, v34  }
0x4a: {  	v23 =	vmax.f32 v23, v38;
	v4 =	vsub.f32 v4, v34;
	v35 =	vadd.f32 v35, v27  }
0x4b: {  	[tilespmem:$0x1FF90] =	vst v27;
	v27 =	vpop (erf);
	v25 =	vsub.f32 v25, v23;
	v26 =	vsub.f32 v26, v23  }
0x4c: {  	v22 =	vmax.f32 v22, v36;
	v19 =	vsub.f32 v19, v23;
	v35 =	vadd.f32 v35, v27  }
0x4d: {  	v20 =	vsub.f32 v20, v23;
	[tilespmem:$0x1FFA0] =	vst v27;
	v47 =	vmul.f32 $4.000000000e+00, v37;
	v24 =	vmul.f32 $4.000000000e+00, v24;
	v27 =	vpop (erf)  }
0x4e: {  	v21 =	vmul.f32 $4.000000000e+00, v21;
	v16 =	vmul.f32 $4.000000000e+00, v16;
	v35 =	vadd.f32 v35, v27  }
0x4f: {  	v11 =	vsub.f32 v11, v23;
	v9 =	vmul.f32 $4.000000000e+00, v9;
	v10 =	vmul.f32 $4.000000000e+00, v10  }
0x50: {  	v12 =	vsub.f32 v12, v23;
	v7 =	vmul.f32 $4.000000000e+00, v7;
	v48 =	vperm.xlane v35, v0  }
0x51: {  	v5 =	vsub.f32 v5, v23;
	v4 =	vmul.f32 $4.000000000e+00, v4;
	v25 =	vmul.f32 $4.000000000e+00, v25  }
0x52: {  	v26 =	vmul.f32 $4.000000000e+00, v26;
	v19 =	vmul.f32 $4.000000000e+00, v19;
	v35 =	vadd.f32 v35, v48  }
0x53: {  	v29 =	vsub.f32 v29, v22;
	v20 =	vmul.f32 $4.000000000e+00, v20;
	v11 =	vmul.f32 $4.000000000e+00, v11  }
0x54: {  	v32 =	vsub.f32 v32, v22;
	v12 =	vmul.f32 $4.000000000e+00, v12;
	v37 =	vperm.xlane v35, v1  }
0x55: {  	v17 =	vsub.f32 v17, v22;
	v5 =	vmul.f32 $4.000000000e+00, v5;
	v29 =	vmul.f32 $4.000000000e+00, v29  }
0x56: {  	v32 =	vmul.f32 $4.000000000e+00, v32;
	v36 =	vmul.f32 $1.442695020e+00, v47;
	v35 =	vadd.f32 v35, v37  }
0x57: {  	v24 =	vmul.f32 $1.442695020e+00, v24;
	v17 =	vmul.f32 $4.000000000e+00, v17  }
0x58: {  	v25 =	vmul.f32 $1.442695020e+00, v25;
	v37 =	vperm.xlane v35, v2  }
0x59: {  	v26 =	vmul.f32 $1.442695020e+00, v26;
	(erf) = vpow2.f32 v36  }
0x5a: {  	v29 =	vmul.f32 $1.442695020e+00, v29;
	(erf) = vpow2.f32 v24;
	v24 =	vadd.f32 v35, v37  }
0x5b: {  	v32 =	vmul.f32 $1.442695020e+00, v32;
	(erf) = vpow2.f32 v25  }
0x5c: {  	v15 =	vsub.f32 v15, v22;
	(erf) = vpow2.f32 v26;
	v25 =	vperm.xlane v24, v3  }
0x5d: {  	v21 =	vmul.f32 $1.442695020e+00, v21;
	(erf) = vpow2.f32 v29  }
0x5e: {  	v15 =	vmul.f32 $4.000000000e+00, v15;
	(erf) = vpow2.f32 v32;
	v24 =	vadd.f32 v24, v25  }
0x5f: {  	v19 =	vmul.f32 $1.442695020e+00, v19;
	(erf) = vpow2.f32 v21  }
0x60: {  	v18 =	vsub.f32 v18, v22;
	v17 =	vmul.f32 $1.442695020e+00, v17;
	(erf) = vrcp.f32 v24  }
0x61: {  	v13 =	vsub.f32 v13, v22;
	v16 =	vmul.f32 $1.442695020e+00, v16;
	(erf) = vpow2.f32 v19  }
0x62: {  	(erf) = vpow2.f32 v17;
	v17 =	vmul.f32 $4.000000000e+00, v18  }
0x63: {  	v9 =	vmul.f32 $1.442695020e+00, v9;
	v13 =	vmul.f32 $4.000000000e+00, v13  }
0x64: {  	v10 =	vmul.f32 $1.442695020e+00, v10;
	v20 =	vmul.f32 $1.442695020e+00, v20;
	v41 =	vpop (erf)  }
0x65: {  	v15 =	vmul.f32 $1.442695020e+00, v15;
	v38 =	vpop (erf);
	(erf) = vpow2.f32 v16  }
0x66: {  	(erf) = vpow2.f32 v20;
	v16 =	vmul.f32 $1.442695020e+00, v17;
	v17 =	vpop (erf)  }
0x67: {  	v6 =	vsub.f32 v6, v22;
	v11 =	vmul.f32 $1.442695020e+00, v11;
	(erf) = vpow2.f32 v15;
	v18 =	vpop (erf)  }
0x68: {  	v7 =	vmul.f32 $1.442695020e+00, v7;
	(erf) = vpow2.f32 v9;
	v9 =	vsub.f32 v8, v23;
	v8 =	vpop (erf)  }
0x69: {  	v6 =	vmul.f32 $4.000000000e+00, v6;
	(erf) = vpow2.f32 v11;
	v11 =	vsub.f32 v14, v22;
	v14 =	vpop (erf)  }
0x6a: {  	v4 =	vmul.f32 $1.442695020e+00, v4;
	v12 =	vmul.f32 $1.442695020e+00, v12;
	v39 =	vpop (erf)  }
0x6b: {  	v13 =	vmul.f32 $1.442695020e+00, v13;
	(erf) = vpow2.f32 v16;
	v40 =	vpop (erf)  }
0x6c: {  	[tilespmem:$0x1FF40] =	vst v43;
	v9 =	vmul.f32 $4.000000000e+00, v9;
	(erf) = vpow2.f32 v10;
	v16 =	vpop (erf)  }
0x6d: {  	[tilespmem:$0x1FF30] =	vst v27;
	v11 =	vmul.f32 $4.000000000e+00, v11;
	(erf) = vpow2.f32 v12;
	v15 =	vpop (erf)  }
0x6e: {  	[tilespmem:$0x1FFB0] =	vst v17;
	v10 =	vmul.f32 $1.442695020e+00, v9;
	v12 =	vadd.f32 v38, v41;
	(erf) = vpow2.f32 v13;
	v43 =	vpop (erf)  }
0x6f: {  	[tilespmem:$0x1FFC0] =	vst v18;
	v11 =	vmul.f32 $1.442695020e+00, v11;
	(erf) = vpow2.f32 v7;
	v7 =	vadd.f32 v18, v17;
	v18 =	vpop (erf)  }
0x70: {  	[tilespmem:$0x1FF10] =	vst v8;
	v13 =	vadd.f32 v14, v8;
	v9 =	vmov v14;
	(erf) = vpow2.f32 v10;
	v14 =	vpop (erf)  }
0x71: {  	v5 =	vmul.f32 $1.442695020e+00, v5;
	v8 =	vadd.f32 v12, v39;
	[tilespmem:$0x1FFD0] =	vst v16;
	(erf) = vpow2.f32 v11;
	v42 =	vpop (erf)  }
0x72: {  	v6 =	vmul.f32 $1.442695020e+00, v6;
	[tilespmem:$0x1FFE0] =	vst v18;
	(erf) = vpow2.f32 v4;
	v4 =	vadd.f32 v7, v16;
	v16 =	vpop (erf)  }
0x73: {  	s13 =	simm.s32 $0x380;
	v8 =	vadd.f32 v8, v43;
	(erf) = vpow2.f32 v5;
	v5 =	vadd.f32 v13, v15;
	[tilespmem:$0x1FFF0] =	vst v16  }
0x74: {  	v4 =	vadd.f32 v4, v18;
	v12 =	vpop (erf);
	v7 =	vld [tilespmem:s13+$0x80]  }
0x75: {  	(erf) = vpow2.f32 v6;
	v6 =	vadd.f32 v8, v42;
	v17 =	vld [tilespmem:s13+$0x90];
	v44 =	vpop (erf);
	v5 =	vadd.f32 v5, v14  }
0x76: {  	v10 =	vmov v14;
	v18 =	vld [tilespmem:s13+$0xA0];
	v4 =	vadd.f32 v4, v16;
	v14 =	vpop (erf)  }
0x77: {  	v20 =	vld [tilespmem:s13+$0xB0];
	v6 =	vadd.f32 v6, v44;
	v13 =	vpop (erf);
	v8 =	vadd.f32 v5, v12  }
0x78: {  	v21 =	vld [tilespmem:s13+$0xC0];
	v4 =	vadd.f32 v4, v14;
	v46 =	vpop (erf)  }
0x79: {  	v22 =	vld [tilespmem:s13+$0xD0];
	v5 =	vpop (erf);
	v6 =	vadd.f32 v6, v46  }
0x7a: {  	v11 =	vmov v15;
	v23 =	vld [tilespmem:s13+$0xE0];
	v15 =	vmax.f32 v7, v17;
	v4 =	vadd.f32 v4, v5  }
0x7b: {  	v24 =	vld [tilespmem:s13+$0xF0];
	v16 =	vadd.f32 v8, v13;
	v8 =	vpop (erf);
	v15 =	vmax.f32 v15, v18  }
0x7c: {  	v47 =	vpop (erf);
	v15 =	vmax.f32 v15, v20  }
0x7d: {  	v16 =	vadd.f32 v16, v8;
	v19 =	vadd.f32 v6, v47;
	v6 =	vpop (erf);
	v15 =	vmax.f32 v15, v21  }
0x7e: {  	v25 =	vadd.f32 v4, v6;
	v4 =	vpop (erf);
	v15 =	vmax.f32 v15, v22  }
0x7f: {  	v26 =	vperm.xlane v19, v0;
	v16 =	vadd.f32 v16, v4;
	v15 =	vmax.f32 v15, v23  }
0x80: {  	v29 =	vperm.xlane v25, v0;
	v15 =	vmax.f32 v15, v24  }
0x81: {  	v19 =	vadd.f32 v19, v26;
	v26 =	vperm.xlane v16, v0;
	v49 =	vperm.xlane v15, v0  }
0x82: {  	v25 =	vadd.f32 v25, v29  }
0x83: {  	v29 =	vperm.xlane v19, v1;
	v16 =	vadd.f32 v16, v26;
	v26 =	vmax.f32 v15, v49  }
0x84: {  	v50 =	vperm.xlane v25, v1;
	v51 =	vperm.xlane v26, v1  }
0x85: {  	v19 =	vadd.f32 v19, v29;
	v29 =	vperm.xlane v16, v1  }
0x86: {  	[tilespmem:$0x1FF20] =	vst v8;
	v25 =	vadd.f32 v25, v50;
	v26 =	vmax.f32 v26, v51  }
0x87: {  	v33 =	vld [tilespmem:s13+$0xFFFFFF80];
	v52 =	vperm.xlane v19, v2;
	v16 =	vadd.f32 v16, v29;
	v29 =	vperm.xlane v26, v2  }
0x88: {  	v62 =	vld [tilespmem:s13+$0xFFFFFF90]  }
0x89: {  	v63 =	vld [tilespmem:s13+$0x0];
	v53 =	vperm.xlane v25, v2;
	v19 =	vadd.f32 v19, v52;
	v26 =	vmax.f32 v26, v29  }
0x8a: {  	v58 =	vld [tilespmem:s13+$0x10];
	v54 =	vperm.xlane v16, v2;
	v29 =	vperm.xlane v26, v3  }
0x8b: {  	v30 =	vld [tilespmem:s13+$0xFFFFFF10];
	v25 =	vadd.f32 v25, v53;
	v55 =	vperm.xlane v19, v3  }
0x8c: {  	v28 =	vld [tilespmem:s13+$0xFFFFFF00];
	v32 =	vadd.f32 v16, v54;
	v26 =	vmax.f32 v26, v29  }
0x8d: {  	v35 =	vld [tilespmem:s13+$0xFFFFFF20];
	v48 =	vperm.xlane v25, v3;
	v34 =	vadd.f32 v19, v55;
	v7 =	vsub.f32 v7, v26  }
0x8e: {  	v61 =	vld [tilespmem:s13+$0xFFFFFFA0];
	v29 =	vperm.xlane v32, v3;
	v56 =	vsub.f32 v17, v26;
	v18 =	vsub.f32 v18, v26  }
0x8f: {  	v37 =	vld [tilespmem:s13+$0x20];
	v20 =	vsub.f32 v20, v26;
	v21 =	vsub.f32 v21, v26;
	(erf) = vrcp.f32 v34  }
0x90: {  	v36 =	vld [tilespmem:s13+$0xFFFFFF30];
	v25 =	vadd.f32 v25, v48;
	v7 =	vmul.f32 $4.000000000e+00, v7;
	v18 =	vmul.f32 $4.000000000e+00, v18  }
0x91: {  	v57 =	vld [tilespmem:s13+$0xFFFFFFC0];
	v22 =	vsub.f32 v22, v26;
	v20 =	vmul.f32 $4.000000000e+00, v20;
	v21 =	vmul.f32 $4.000000000e+00, v21  }
0x92: {  	v59 =	vld [tilespmem:s13+$0x40];
	v29 =	vadd.f32 v32, v29;
	(erf) = vrcp.f32 v25;
	v25 =	vmul.f32 $4.000000000e+00, v56  }
0x93: {  	v60 =	vld [tilespmem:s13+$0xFFFFFF50];
	v22 =	vmul.f32 $4.000000000e+00, v22;
	v7 =	vmul.f32 $1.442695020e+00, v7  }
0x94: {  	v45 =	vmax.f32 v33, v62;
	v50 =	vld [tilespmem:s13+$0xFFFFFF60];
	(erf) = vrcp.f32 v29;
	v25 =	vmul.f32 $1.442695020e+00, v25  }
0x95: {  	v49 =	vmax.f32 v63, v58;
	v55 =	vld [tilespmem:s13+$0xFFFFFF40];
	v18 =	vmul.f32 $1.442695020e+00, v18;
	(erf) = vpow2.f32 v7  }
0x96: {  	v34 =	vld [tilespmem:s13+$0xFFFFFFB0];
	v29 =	vmax.f32 v28, v30;
	v20 =	vmul.f32 $1.442695020e+00, v20;
	(erf) = vpow2.f32 v25  }
0x97: {  	v51 =	vld [tilespmem:s13+$0xFFFFFFF0];
	v7 =	vmax.f32 v29, v35;
	(erf) = vpow2.f32 v18;
	v18 =	vsub.f32 v23, v26  }
0x98: {  	v48 =	vld [tilespmem:s13+$0xFFFFFF70];
	v21 =	vmul.f32 $1.442695020e+00, v21;
	v25 =	vmax.f32 v45, v61;
	v7 =	vmax.f32 v7, v36  }
0x99: {  	v56 =	vld [tilespmem:s13+$0x30];
	v23 =	vsub.f32 v24, v26;
	v24 =	vmax.f32 v49, v37;
	v18 =	vmul.f32 $4.000000000e+00, v18  }
0x9a: {  	v45 =	vld [tilespmem:s13+$0xFFFFFFD0];
	v7 =	vmax.f32 v7, v55;
	(erf) = vpow2.f32 v20;
	v20 =	vmul.f32 $1.442695020e+00, v22  }
0x9b: {  	v54 =	vld [tilespmem:s13+$0xFFFFFFE0];
	v7 =	vmax.f32 v7, v60;
	v22 =	vmul.f32 $4.000000000e+00, v23;
	v23 =	vmax.f32 v25, v34;
	v49 =	vpop (erf)  }
0x9c: {  	v32 =	vld [tilespmem:s13+$0x50];
	(erf) = vpow2.f32 v21;
	v7 =	vmax.f32 v7, v50;
	v29 =	vpop (erf);
	v21 =	vmul.f32 $1.442695020e+00, v18  }
0x9d: {  	v52 =	vld [tilespmem:s13+$0x60];
	(erf) = vpow2.f32 v20;
	v7 =	vmax.f32 v7, v48;
	v20 =	vmul.f32 $1.442695020e+00, v22;
	v18 =	vpop (erf)  }
0x9e: {  	v53 =	vld [tilespmem:s13+$0x70];
	v22 =	vmax.f32 v24, v56;
	(erf) = vpow2.f32 v21;
	v21 =	vmax.f32 v23, v57;
	v25 =	vpop (erf)  }
0x9f: {  	v26 =	vperm.xlane v7, v0;
	(erf) = vpow2.f32 v20;
	v20 =	vmax.f32 v21, v45;
	v23 =	vpop (erf)  }
0xa0: {  	v22 =	vmax.f32 v22, v59;
	v20 =	vmax.f32 v20, v54;
	v24 =	vadd.f32 v23, v25  }
0xa1: {  	v22 =	vmax.f32 v22, v32;
	v20 =	vmax.f32 v20, v51  }
0xa2: {  	v15 =	vmax.f32 v7, v26;
	v22 =	vmax.f32 v22, v52;
	v21 =	vpop (erf);
	v26 =	vperm.xlane v20, v0  }
0xa3: {  	v7 =	vmax.f32 v22, v53;
	v16 =	vadd.f32 v24, v21  }
0xa4: {  	v20 =	vmax.f32 v20, v26;
	v26 =	vperm.xlane v7, v0;
	v24 =	vpop (erf)  }
0xa5: {  	v17 =	vadd.f32 v16, v24;
	v16 =	vperm.xlane v15, v1  }
0xa6: {  	v22 =	vpop (erf)  }
0xa7: {  	v15 =	vmax.f32 v15, v16;
	v16 =	vadd.f32 v17, v22;
	v17 =	vperm.xlane v20, v1  }
0xa8: {  	v7 =	vmax.f32 v7, v26;
	v26 =	vpop (erf);
	v19 =	vperm.xlane v15, v2  }
0xa9: {  	v17 =	vmax.f32 v20, v17;
	v27 =	vadd.f32 v16, v26;
	v16 =	vperm.xlane v7, v1  }
0xaa: {  	v20 =	vpop (erf);
	v15 =	vmax.f32 v15, v19;
	v19 =	vperm.xlane v17, v2  }
0xab: {  	v16 =	vmax.f32 v7, v16;
	v27 =	vadd.f32 v27, v20;
	v7 =	vperm.xlane v15, v3  }
0xac: {  	v31 =	vpop (erf);
	v19 =	vmax.f32 v17, v19;
	v17 =	vperm.xlane v16, v2  }
0xad: {  	v7 =	vmax.f32 v15, v7;
	v15 =	vadd.f32 v27, v31;
	v27 =	vperm.xlane v19, v3  }
0xae: {  	v16 =	vmax.f32 v16, v17;
	v17 =	vsub.f32 v28, v7  }
0xaf: {  	v19 =	vmax.f32 v19, v27;
	v27 =	vsub.f32 v30, v7;
	v28 =	vperm.xlane v15, v0  }
0xb0: {  	v30 =	vsub.f32 v33, v19;
	v17 =	vmul.f32 $4.000000000e+00, v17;
	v33 =	vperm.xlane v16, v3  }
0xb1: {  	v15 =	vadd.f32 v15, v28;
	v27 =	vmul.f32 $4.000000000e+00, v27  }
0xb2: {  	v33 =	vmax.f32 v16, v33;
	v16 =	vmul.f32 $4.000000000e+00, v30;
	v17 =	vmul.f32 $1.442695020e+00, v17  }
0xb3: {  	v28 =	vsub.f32 v62, v19;
	v27 =	vmul.f32 $1.442695020e+00, v27;
	v30 =	vperm.xlane v15, v1  }
0xb4: {  	(erf) = vpow2.f32 v17;
	v17 =	vsub.f32 v63, v33;
	v16 =	vmul.f32 $1.442695020e+00, v16  }
0xb5: {  	v15 =	vadd.f32 v15, v30;
	(erf) = vpow2.f32 v27;
	v27 =	vmul.f32 $4.000000000e+00, v28  }
0xb6: {  	(erf) = vpow2.f32 v16;
	v17 =	vmul.f32 $4.000000000e+00, v17  }
0xb7: {  	v16 =	vsub.f32 v58, v33;
	v27 =	vmul.f32 $1.442695020e+00, v27;
	v30 =	vperm.xlane v15, v2  }
0xb8: {  	v28 =	vsub.f32 v35, v7;
	v17 =	vmul.f32 $1.442695020e+00, v17  }
0xb9: {  	v16 =	vmul.f32 $4.000000000e+00, v16;
	v15 =	vadd.f32 v15, v30;
	(erf) = vpow2.f32 v27  }
0xba: {  	v27 =	vmul.f32 $4.000000000e+00, v28;
	(erf) = vpow2.f32 v17;
	v17 =	vsub.f32 v61, v19  }
0xbb: {  	v8 =	vld [tilespmem:$0x1FF30];
	v16 =	vmul.f32 $1.442695020e+00, v16;
	v30 =	vperm.xlane v15, v3  }
0xbc: {  	v27 =	vmul.f32 $1.442695020e+00, v27;
	v17 =	vmul.f32 $4.000000000e+00, v17  }
0xbd: {  	(erf) = vpow2.f32 v16;
	v15 =	vadd.f32 v15, v30  }
0xbe: {  	(erf) = vpow2.f32 v27;
	v17 =	vmul.f32 $1.442695020e+00, v17  }
0xbf: {  	(erf) = vrcp.f32 v15  }
0xc0: {  	(erf) = vpow2.f32 v17;
	v17 =	vmul.f32 v40, v8;
	v8 =	vld [tilespmem:$0x1FF40];
	_ =	sdelay $0x4  }
0xc1: {  	v30 =	vmul.f32 v40, v8;
	v8 =	vld [tilespmem:$0x1FF50];
	_ =	sdelay $0x4  }
0xc2: {  	v35 =	vmul.f32 v40, v8;
	v8 =	vld [tilespmem:$0x1FF60];
	_ =	sdelay $0x1  }
0xc3: {  	v32 =	vsub.f32 v32, v33  }
0xc4: {  	v41 =	vmul.f32 v49, v41;
	v28 =	vsub.f32 v37, v33  }
0xc5: {  	v38 =	vmul.f32 v49, v38;
	v32 =	vmul.f32 $4.000000000e+00, v32;
	v16 =	vsub.f32 v36, v7  }
0xc6: {  	v27 =	vmul.f32 $4.000000000e+00, v28;
	v37 =	vmul.f32 v40, v8;
	v8 =	vld [tilespmem:$0x1FF70]  }
0xc7: {  	v43 =	vmul.f32 v49, v43;
	v59 =	vsub.f32 v59, v33;
	v16 =	vmul.f32 $4.000000000e+00, v16  }
0xc8: {  	v32 =	vmul.f32 $1.442695020e+00, v32;
	v15 =	vmul.f32 $1.442695020e+00, v27  }
0xc9: {  	v36 =	vmul.f32 $4.000000000e+00, v59;
	v16 =	vmul.f32 $1.442695020e+00, v16  }
0xca: {  	v27 =	vsub.f32 v55, v7;
	(erf) = vpow2.f32 v15;
	v15 =	vsub.f32 v34, v19  }
0xcb: {  	(erf) = vpow2.f32 v16;
	v16 =	vsub.f32 v56, v33;
	v56 =	vmul.f32 v40, v8;
	v8 =	vld [tilespmem:$0x1FF80]  }
0xcc: {  	v57 =	vsub.f32 v57, v19;
	v36 =	vmul.f32 $1.442695020e+00, v36;
	v15 =	vmul.f32 $4.000000000e+00, v15  }
0xcd: {  	v27 =	vmul.f32 $4.000000000e+00, v27;
	v16 =	vmul.f32 $4.000000000e+00, v16  }
0xce: {  	v34 =	vmul.f32 $4.000000000e+00, v57;
	v15 =	vmul.f32 $1.442695020e+00, v15  }
0xcf: {  	v61 =	vmul.f32 $1.442695020e+00, v27;
	v16 =	vmul.f32 $1.442695020e+00, v16  }
0xd0: {  	(erf) = vpow2.f32 v15;
	v15 =	vsub.f32 v60, v7;
	v58 =	vmul.f32 v40, v8;
	v8 =	vld [tilespmem:$0x1FF90]  }
0xd1: {  	v28 =	vpop (erf);
	v34 =	vmul.f32 $1.442695020e+00, v34;
	(erf) = vpow2.f32 v16  }
0xd2: {  	v59 =	vsub.f32 v45, v19;
	v27 =	vpop (erf);
	v62 =	vmul.f32 $4.000000000e+00, v15;
	(erf) = vpow2.f32 v61  }
0xd3: {  	v60 =	vmul.f32 v49, v39;
	v61 =	vsub.f32 v50, v7;
	v16 =	vpop (erf);
	(erf) = vpow2.f32 v34  }
0xd4: {  	v7 =	vsub.f32 v48, v7;
	v15 =	vpop (erf);
	v63 =	vmul.f32 $1.442695020e+00, v62;
	(erf) = vpow2.f32 v36  }
0xd5: {  	v36 =	vmul.f32 $4.000000000e+00, v59;
	v62 =	vsub.f32 v54, v19;
	v57 =	vmul.f32 v40, v8;
	v8 =	vld [tilespmem:$0x1FFA0];
	[tilespmem:s12+$0xF0] =	vst v17  }
0xd6: {  	v39 =	vmul.f32 $4.000000000e+00, v61;
	v19 =	vsub.f32 v51, v19;
	v7 =	vmul.f32 $4.000000000e+00, v7;
	[tilespmem:s12+$0x80] =	vst v30  }
0xd7: {  	v34 =	vpop (erf);
	(erf) = vpow2.f32 v63;
	v63 =	vmul.f32 $4.000000000e+00, v62;
	[tilespmem:s12+$0x90] =	vst v35  }
0xd8: {  	v52 =	vsub.f32 v52, v33;
	v19 =	vmul.f32 $4.000000000e+00, v19;
	v7 =	vmul.f32 $1.442695020e+00, v7;
	[tilespmem:s12+$0xA0] =	vst v37  }
0xd9: {  	v62 =	vmul.f32 v49, v44;
	v17 =	vmul.f32 $1.442695020e+00, v36;
	[tilespmem:s12+$0xB0] =	vst v56  }
0xda: {  	v33 =	vsub.f32 v53, v33;
	v53 =	vmul.f32 $1.442695020e+00, v63;
	v36 =	vpop (erf);
	[tilespmem:s12+$0xC0] =	vst v58;
	v35 =	vmul.f32 $4.000000000e+00, v52  }
0xdb: {  	[tilespmem:s12+$0xFFFFFF00] =	vst v41;
	v30 =	vpop (erf);
	(erf) = vpow2.f32 v17;
	v17 =	vmul.f32 $1.442695020e+00, v39  }
0xdc: {  	[tilespmem:s12+$0xFFFFFF10] =	vst v38;
	v45 =	vpop (erf);
	(erf) = vpow2.f32 v32;
	v40 =	vmul.f32 v40, v8  }
0xdd: {  	[tilespmem:s12+$0xFFFFFF20] =	vst v60;
	v35 =	vmul.f32 $1.442695020e+00, v35;
	v48 =	vpop (erf);
	(erf) = vpow2.f32 v17  }
0xde: {  	v19 =	vmul.f32 $1.442695020e+00, v19;
	[tilespmem:s12+$0xFFFFFF30] =	vst v43;
	v37 =	vpop (erf);
	(erf) = vpow2.f32 v53  }
0xdf: {  	[tilespmem:s12+$0xD0] =	vst v57;
	v57 =	vmul.f32 v45, v31;
	v31 =	vpop (erf);
	(erf) = vpow2.f32 v35  }
0xe0: {  	[tilespmem:s12+$0xE0] =	vst v40;
	v40 =	vpop (erf);
	(erf) = vpow2.f32 v7  }
0xe1: {  	[tilespmem:s12+$0xFFFFFF50] =	vst v62;
	(erf) = vpow2.f32 v19;
	v19 =	vmul.f32 v49, v42  }
0xe2: {  	[tilespmem:s13+$0xF0] =	vst v57  }
0xe3: {  	[tilespmem:s12+$0xFFFFFF40] =	vst v19  }
0xe4: {  	v8 =	vld [tilespmem:$0x1FFB0];
	_ =	sdelay $0x1  }
0xe5: {  	v54 =	vadd.f32 v27, v28;
	v63 =	vmul.f32 v49, v46;
	v17 =	vadd.f32 v36, v34;
	_ =	sdelay $0x1  }
0xe6: {  	v33 =	vmul.f32 $4.000000000e+00, v33;
	v32 =	vadd.f32 v54, v30;
	[tilespmem:s12+$0xFFFFFF60] =	vst v63  }
0xe7: {  	v39 =	vpop (erf);
	v52 =	vmul.f32 v29, v8;
	v8 =	vld [tilespmem:$0x1FFC0]  }
0xe8: {  	v59 =	vadd.f32 v17, v37;
	v32 =	vadd.f32 v32, v31;
	v7 =	vmul.f32 $1.442695020e+00, v33;
	v17 =	vpop (erf)  }
0xe9: {  	v56 =	vadd.f32 v15, v16;
	v43 =	vpop (erf)  }
0xea: {  	(erf) = vpow2.f32 v7;
	v7 =	vadd.f32 v32, v17;
	v42 =	vpop (erf)  }
0xeb: {  	v58 =	vadd.f32 v56, v48;
	v19 =	vpop (erf)  }
0xec: {  	v51 =	vadd.f32 v7, v19;
	v7 =	vmul.f32 v49, v47;
	v47 =	vmul.f32 v29, v8;
	v8 =	vld [tilespmem:$0x1FFD0]  }
0xed: {  	v60 =	vadd.f32 v58, v40;
	_ =	sdelay $0x1  }
0xee: {  	v35 =	vadd.f32 v60, v43  }
0xef: {  	v46 =	vpop (erf);
	[tilespmem:s12+$0xFFFFFF70] =	vst v7  }
0xf0: {  	v32 =	vadd.f32 v35, v46;
	v35 =	vmul.f32 v29, v8;
	v8 =	vld [tilespmem:$0x1FFE0];
	_ =	sdelay $0x4  }
0xf1: {  	v50 =	vmul.f32 v29, v8;
	v8 =	vld [tilespmem:$0x1FFF0]  }
0xf2: {  	v61 =	vadd.f32 v59, v39;
	_ =	sdelay $0x1  }
0xf3: {  	v33 =	vadd.f32 v61, v42  }
0xf4: {  	v44 =	vpop (erf)  }
0xf5: {  	s14 =	simm.s32 $0x4;
	s15 =	simm.s32 $0x580;
	v7 =	vadd.f32 v33, v44;
	v49 =	vmul.f32 v29, v8  }
.LBB2_2:
0xf6: {  	v38 =	vld [tilespmem:s15+$0x80]  }
0xf7: {  	v33 =	vpop (erf);
	v63 =	vmul.f32 v29, v14;
	v14 =	vld [tilespmem:s15+$0x90]  }
0xf8: {  	v8 =	vmov v48;
	[tilespmem:s12+$0xFFFFFF90] =	vst v47;
	v60 =	vadd.f32 v51, v33;
	v51 =	vmul.f32 v29, v6;
	v6 =	vld [tilespmem:$0x1FF10]  }
0xf9: {  	[tilespmem:$0x1FF00] =	vst v8;
	v8 =	vmul.f32 v18, v9;
	v9 =	vmul.f32 v18, v11;
	v11 =	vld [tilespmem:$0x1FF20]  }
0xfa: {  	v53 =	vmul.f32 v29, v5;
	v47 =	vld [tilespmem:s15+$0xA0];
	[tilespmem:s12+$0xFFFFFF80] =	vst v52;
	v5 =	vpop (erf)  }
0xfb: {  	v10 =	vmul.f32 v18, v10;
	[tilespmem:s12+$0xFFFFFFA0] =	vst v35;
	v55 =	vadd.f32 v32, v5;
	v41 =	vpop (erf);
	v32 =	vld [tilespmem:s15+$0xB0]  }
0xfc: {  	v12 =	vmul.f32 v18, v12;
	v13 =	vmul.f32 v18, v13;
	[tilespmem:s12+$0xFFFFFFB0] =	vst v50;
	v56 =	vadd.f32 v7, v41;
	v35 =	vpop (erf);
	v7 =	vld [tilespmem:s15+$0xC0]  }
0xfd: {  	v57 =	vmul.f32 v45, v25;
	[tilespmem:s12+$0xFFFFFFC0] =	vst v49;
	v29 =	vld [tilespmem:s15+$0xD0];
	v50 =	vadd.f32 v60, v35;
	v54 =	vmul.f32 v18, v6;
	v6 =	vpop (erf)  }
0xfe: {  	[tilespmem:s12+$0xFFFFFFD0] =	vst v63;
	v63 =	vld [tilespmem:s15+$0xE0];
	v61 =	vmax.f32 v38, v14;
	v11 =	vmul.f32 v18, v11;
	v55 =	vadd.f32 v55, v6  }
0xff: {  	v25 =	vld [tilespmem:s15+$0xF0];
	[tilespmem:s12+$0xFFFFFFF0] =	vst v51;
	v18 =	vmul.f32 v18, v4;
	v49 =	vperm.xlane v50, v0;
	v62 =	vmax.f32 v61, v47;
	v4 =	vpop (erf)  }
0x100: {  	[tilespmem:s12+$0x10] =	vst v8;
	v61 =	vmax.f32 v62, v32;
	v52 =	vadd.f32 v56, v4;
	v60 =	vperm.xlane v55, v0  }
0x101: {  	v48 =	vld [tilespmem:s15+$0xFFFFFF10];
	[tilespmem:s12+$0x20] =	vst v9;
	v62 =	vadd.f32 v50, v49;
	v51 =	vmax.f32 v61, v7  }
0x102: {  	v59 =	vld [tilespmem:s15+$0xFFFFFF00];
	[tilespmem:s12+$0x0] =	vst v54;
	v8 =	vmax.f32 v51, v29;
	v58 =	vperm.xlane v52, v0;
	v54 =	vadd.f32 v55, v60  }
0x103: {  	v23 =	vmul.f32 v45, v23;
	v51 =	vld [tilespmem:s15+$0x0];
	[tilespmem:s12+$0x30] =	vst v10;
	v8 =	vmax.f32 v8, v63;
	v60 =	vperm.xlane v62, v1  }
0x104: {  	[tilespmem:s12+$0xFFFFFFE0] =	vst v53;
	v8 =	vmax.f32 v8, v25;
	v61 =	vadd.f32 v52, v58;
	v9 =	vperm.xlane v54, v1;
	v52 =	vld [tilespmem:s15+$0x10]  }
0x105: {  	v21 =	vmul.f32 v45, v21;
	v53 =	vld [tilespmem:s15+$0xFFFFFF20];
	v10 =	vadd.f32 v62, v60;
	[tilespmem:s12+$0x40] =	vst v12;
	v12 =	vperm.xlane v8, v0  }
0x106: {  	v24 =	vmul.f32 v45, v24;
	v49 =	vld [tilespmem:s15+$0xFFFFFF80];
	v62 =	vperm.xlane v61, v1;
	v9 =	vadd.f32 v54, v9  }
0x107: {  	v22 =	vmul.f32 v45, v22;
	[tilespmem:s12+$0x50] =	vst v13;
	v50 =	vld [tilespmem:s15+$0xFFFFFF90];
	v13 =	vperm.xlane v10, v2;
	v8 =	vmax.f32 v8, v12  }
0x108: {  	[tilespmem:s12+$0x70] =	vst v18;
	v55 =	vld [tilespmem:s15+$0x20];
	v18 =	vperm.xlane v8, v1;
	v58 =	vadd.f32 v61, v62;
	v12 =	vperm.xlane v9, v2  }
0x109: {  	v26 =	vmul.f32 v45, v26;
	[tilespmem:s12+$0x60] =	vst v11;
	v56 =	vld [tilespmem:s15+$0xFFFFFF30];
	s12 =	smov.u32 s13;
	v10 =	vadd.f32 v10, v13;
	v60 =	vmax.f32 v51, v52  }
0x10a: {  	[tilespmem:s12+$0x80] =	vst v57;
	v54 =	vld [tilespmem:s15+$0xFFFFFFA0];
	v8 =	vmax.f32 v8, v18;
	v13 =	vperm.xlane v58, v2;
	v9 =	vadd.f32 v9, v12  }
0x10b: {  	v57 =	vld [tilespmem:s15+$0xFFFFFFB0];
	[tilespmem:s12+$0xA0] =	vst v21;
	v12 =	vmul.f32 v45, v20;
	v20 =	vmax.f32 v59, v48;
	v21 =	vperm.xlane v10, v3  }
0x10c: {  	[tilespmem:s12+$0x90] =	vst v23;
	v45 =	vld [tilespmem:s15+$0xFFFFFF40];
	v18 =	vmax.f32 v20, v53;
	v20 =	vperm.xlane v8, v2;
	v13 =	vadd.f32 v58, v13  }
0x10d: {  	v11 =	vmax.f32 v49, v50;
	[tilespmem:s12+$0xC0] =	vst v22;
	v22 =	vmax.f32 v60, v55;
	v58 =	vld [tilespmem:s15+$0x30];
	v23 =	vperm.xlane v9, v3  }
0x10e: {  	[tilespmem:s12+$0xB0] =	vst v24;
	v61 =	vld [tilespmem:s15+$0xFFFFFFC0];
	v10 =	vadd.f32 v10, v21;
	v8 =	vmax.f32 v8, v20;
	v24 =	vperm.xlane v13, v3  }
0x10f: {  	[tilespmem:s12+$0xD0] =	vst v26;
	v11 =	vmax.f32 v11, v54;
	v18 =	vmax.f32 v18, v56;
	v20 =	vperm.xlane v8, v3  }
0x110: {  	v26 =	vmovc v41;
	[tilespmem:s12+$0xE0] =	vst v12;
	v12 =	vmax.f32 v11, v57;
	v23 =	vadd.f32 v9, v23;
	(erf) = vrcp.f32 v10  }
0x111: {  	[tilespmem:$0x1FF20] =	vst v26;
	v60 =	vld [tilespmem:s15+$0xFFFFFF50];
	v18 =	vmax.f32 v18, v45;
	v13 =	vadd.f32 v13, v24;
	v20 =	vmax.f32 v8, v20  }
0x112: {  	v62 =	vld [tilespmem:s15+$0x40];
	v11 =	vmovc v37;
	(erf) = vrcp.f32 v23;
	v21 =	vmax.f32 v22, v58;
	v22 =	vsub.f32 v38, v20;
	v24 =	vmovc v34  }
0x113: {  	v37 =	vld [tilespmem:s15+$0x50];
	v23 =	vmax.f32 v12, v61;
	v26 =	vsub.f32 v47, v20;
	[tilespmem:$0x1FF10] =	vst v24;
	v24 =	vsub.f32 v14, v20  }
0x114: {  	v9 =	vmovc v36;
	v36 =	vld [tilespmem:s15+$0xFFFFFF60];
	v32 =	vsub.f32 v32, v20;
	(erf) = vrcp.f32 v13;
	v22 =	vmul.f32 $4.000000000e+00, v22  }
0x115: {  	v7 =	vsub.f32 v7, v20;
	v34 =	vld [tilespmem:s15+$0xFFFFFFD0];
	v26 =	vmul.f32 $4.000000000e+00, v26;
	v24 =	vmul.f32 $4.000000000e+00, v24  }
0x116: {  	v10 =	vmovc v39;
	v39 =	vld [tilespmem:s15+$0xFFFFFFE0];
	v18 =	vmax.f32 v18, v60;
	v32 =	vmul.f32 $4.000000000e+00, v32;
	v22 =	vmul.f32 $1.442695020e+00, v22  }
0x117: {  	v12 =	vmovc v42;
	v42 =	vld [tilespmem:s15+$0xFFFFFFF0];
	v21 =	vmax.f32 v21, v62;
	v7 =	vmul.f32 $4.000000000e+00, v7;
	v24 =	vmul.f32 $1.442695020e+00, v24  }
0x118: {  	v38 =	vmovc v40;
	v40 =	vld [tilespmem:s15+$0xFFFFFF70];
	v21 =	vmax.f32 v21, v37;
	v8 =	vmul.f32 $1.442695020e+00, v26;
	(erf) = vpow2.f32 v22  }
0x119: {  	v13 =	vmovc v44;
	v26 =	vmul.f32 $1.442695020e+00, v32;
	v32 =	vsub.f32 v63, v20;
	(erf) = vpow2.f32 v24  }
0x11a: {  	v44 =	vld [tilespmem:s15+$0x60];
	v7 =	vmul.f32 $1.442695020e+00, v7;
	v23 =	vmax.f32 v23, v34;
	v22 =	vmax.f32 v18, v36;
	v47 =	vpop (erf)  }
0x11b: {  	v23 =	vmax.f32 v23, v39;
	v24 =	vsub.f32 v29, v20;
	v29 =	vpop (erf);
	(erf) = vpow2.f32 v8  }
0x11c: {  	v41 =	vmovc v43;
	v43 =	vld [tilespmem:s15+$0x70];
	v27 =	vmul.f32 v47, v27;
	v63 =	vmax.f32 v23, v42;
	v23 =	vmul.f32 $4.000000000e+00, v32  }
0x11d: {  	v22 =	vmax.f32 v22, v40;
	v18 =	vpop (erf);
	v24 =	vmul.f32 $4.000000000e+00, v24;
	(erf) = vpow2.f32 v26  }
0x11e: {  	v20 =	vsub.f32 v25, v20;
	(erf) = vpow2.f32 v7;
	v7 =	vperm.xlane v22, v0  }
0x11f: {  	v21 =	vmax.f32 v21, v44;
	[tilespmem:s12+$0xFFFFFF10] =	vst v27;
	v27 =	vmul.f32 v47, v30;
	v24 =	vmul.f32 $1.442695020e+00, v24  }
0x120: {  	v20 =	vmul.f32 $4.000000000e+00, v20;
	v7 =	vmax.f32 v22, v7;
	v22 =	vperm.xlane v63, v0  }
0x121: {  	v21 =	vmax.f32 v21, v43;
	v26 =	vmul.f32 $1.442695020e+00, v23;
	v25 =	vpop (erf);
	(erf) = vpow2.f32 v24  }
0x122: {  	v20 =	vmul.f32 $1.442695020e+00, v20;
	v24 =	vperm.xlane v21, v0;
	v22 =	vmax.f32 v63, v22;
	v23 =	vpop (erf)  }
0x123: {  	v14 =	vmovc v46;
	(erf) = vpow2.f32 v26;
	v26 =	vperm.xlane v7, v1;
	v32 =	vadd.f32 v23, v25  }
0x124: {  	v63 =	vperm.xlane v22, v1;
	v46 =	vmax.f32 v21, v24;
	v21 =	vpop (erf);
	(erf) = vpow2.f32 v20  }
0x125: {  	v20 =	vperm.xlane v46, v1;
	v7 =	vmax.f32 v7, v26;
	v32 =	vadd.f32 v32, v21  }
0x126: {  	v63 =	vmax.f32 v22, v63;
	v24 =	vpop (erf);
	v26 =	vmul.f32 v47, v28;
	v28 =	vperm.xlane v7, v2  }
0x127: {  	v8 =	vperm.xlane v63, v2;
	v20 =	vmax.f32 v46, v20;
	v32 =	vadd.f32 v32, v24  }
0x128: {  	v22 =	vpop (erf);
	v7 =	vmax.f32 v7, v28;
	v28 =	vperm.xlane v20, v2  }
0x129: {  	[tilespmem:s12+$0xFFFFFF20] =	vst v27;
	v8 =	vmax.f32 v63, v8;
	v46 =	vperm.xlane v7, v3;
	v32 =	vadd.f32 v32, v22  }
0x12a: {  	v27 =	vmul.f32 v47, v31;
	[tilespmem:s12+$0xFFFFFF00] =	vst v26;
	v30 =	vperm.xlane v8, v3;
	v26 =	vpop (erf);
	v28 =	vmax.f32 v20, v28  }
0x12b: {  	v7 =	vmax.f32 v7, v46;
	v46 =	vperm.xlane v28, v3;
	v32 =	vadd.f32 v32, v26  }
0x12c: {  	v8 =	vmax.f32 v8, v30;
	v31 =	vsub.f32 v59, v7;
	v63 =	vsub.f32 v48, v7  }
0x12d: {  	v20 =	vpop (erf);
	v59 =	vsub.f32 v49, v8;
	v46 =	vmax.f32 v28, v46;
	v28 =	vsub.f32 v50, v8  }
0x12e: {  	[tilespmem:s12+$0xFFFFFF30] =	vst v27;
	v30 =	vadd.f32 v32, v20;
	v27 =	vmul.f32 $4.000000000e+00, v31;
	v32 =	vsub.f32 v51, v46  }
0x12f: {  	v49 =	vpop (erf);
	v31 =	vmul.f32 $4.000000000e+00, v63;
	v63 =	vsub.f32 v52, v46;
	v51 =	vsub.f32 v53, v7  }
0x130: {  	v53 =	vsub.f32 v54, v8;
	v30 =	vadd.f32 v30, v49  }
0x131: {  	v48 =	vmul.f32 $4.000000000e+00, v59;
	v54 =	vsub.f32 v55, v46;
	v52 =	vsub.f32 v56, v7  }
0x132: {  	v55 =	vsub.f32 v57, v8;
	v28 =	vmul.f32 $4.000000000e+00, v28;
	v59 =	vperm.xlane v30, v0  }
0x133: {  	v57 =	vsub.f32 v58, v46;
	v32 =	vmul.f32 $4.000000000e+00, v32;
	v50 =	vmul.f32 $4.000000000e+00, v63  }
0x134: {  	v27 =	vmul.f32 $1.442695020e+00, v27;
	v31 =	vmul.f32 $1.442695020e+00, v31;
	v30 =	vadd.f32 v30, v59  }
0x135: {  	v56 =	vsub.f32 v61, v8;
	v48 =	vmul.f32 $1.442695020e+00, v48;
	v51 =	vmul.f32 $4.000000000e+00, v51  }
0x136: {  	v37 =	vsub.f32 v37, v46;
	v53 =	vmul.f32 $4.000000000e+00, v53;
	v63 =	vperm.xlane v30, v1  }
0x137: {  	v44 =	vsub.f32 v44, v46;
	v54 =	vmul.f32 $4.000000000e+00, v54;
	v61 =	vmul.f32 $4.000000000e+00, v52  }
0x138: {  	v58 =	vmul.f32 $4.000000000e+00, v56;
	v37 =	vmul.f32 $4.000000000e+00, v37;
	v30 =	vadd.f32 v30, v63  }
0x139: {  	v44 =	vmul.f32 $4.000000000e+00, v44;
	v28 =	vmul.f32 $1.442695020e+00, v28  }
0x13a: {  	(erf) = vpow2.f32 v27;
	v63 =	vperm.xlane v30, v2  }
0x13b: {  	v32 =	vmul.f32 $1.442695020e+00, v32;
	v50 =	vmul.f32 $1.442695020e+00, v50  }
0x13c: {  	v27 =	vmul.f32 $1.442695020e+00, v51;
	(erf) = vpow2.f32 v31;
	v30 =	vadd.f32 v30, v63  }
0x13d: {  	v44 =	vmul.f32 $1.442695020e+00, v44;
	(erf) = vpow2.f32 v48  }
0x13e: {  	(erf) = vpow2.f32 v28;
	v28 =	vperm.xlane v30, v3  }
0x13f: {  	v39 =	vsub.f32 v39, v8;
	v31 =	vmul.f32 $1.442695020e+00, v53;
	(erf) = vpow2.f32 v32  }
0x140: {  	(erf) = vpow2.f32 v50;
	v63 =	vmul.f32 $4.000000000e+00, v57;
	v57 =	vadd.f32 v30, v28  }
0x141: {  	v59 =	vsub.f32 v62, v46;
	v62 =	vmul.f32 $4.000000000e+00, v55;
	(erf) = vpow2.f32 v27  }
0x142: {  	v48 =	vsub.f32 v60, v7;
	v60 =	vmul.f32 $1.442695020e+00, v54;
	(erf) = vrcp.f32 v57  }
0x143: {  	v54 =	vsub.f32 v34, v8;
	v34 =	vmul.f32 $1.442695020e+00, v62;
	v28 =	vpop (erf);
	(erf) = vpow2.f32 v31  }
0x144: {  	v45 =	vsub.f32 v45, v7;
	v59 =	vmul.f32 $4.000000000e+00, v59;
	v30 =	vmul.f32 $1.442695020e+00, v61  }
0x145: {  	v8 =	vsub.f32 v42, v8;
	v62 =	vmul.f32 $4.000000000e+00, v48;
	v27 =	vpop (erf);
	(erf) = vpow2.f32 v60  }
0x146: {  	v31 =	vmul.f32 $4.000000000e+00, v45;
	v53 =	vpop (erf);
	(erf) = vpow2.f32 v30  }
0x147: {  	v8 =	vmul.f32 $4.000000000e+00, v8;
	v50 =	vmul.f32 $1.442695020e+00, v63;
	v55 =	vpop (erf)  }
0x148: {  	v31 =	vmul.f32 $1.442695020e+00, v31;
	(erf) = vpow2.f32 v34;
	v34 =	vpop (erf)  }
0x149: {  	v32 =	vsub.f32 v36, v7;
	v61 =	vmul.f32 $1.442695020e+00, v58;
	v36 =	vpop (erf);
	(erf) = vpow2.f32 v50  }
0x14a: {  	v7 =	vsub.f32 v40, v7;
	v40 =	vmul.f32 $1.442695020e+00, v59;
	v30 =	vpop (erf);
	(erf) = vpow2.f32 v31  }
0x14b: {  	v42 =	vsub.f32 v43, v46;
	v52 =	vmul.f32 $1.442695020e+00, v62;
	(erf) = vpow2.f32 v61;
	v45 =	vpop (erf)  }
0x14c: {  	v62 =	vmul.f32 $1.442695020e+00, v37;
	v60 =	vadd.f32 v27, v28;
	v48 =	vpop (erf);
	(erf) = vpow2.f32 v40  }
0x14d: {  	v32 =	vmul.f32 $4.000000000e+00, v32;
	v63 =	vmul.f32 $4.000000000e+00, v54  }
0x14e: {  	v7 =	vmul.f32 $4.000000000e+00, v7;
	v59 =	vmul.f32 $4.000000000e+00, v42;
	v43 =	vadd.f32 v60, v30;
	v37 =	vpop (erf)  }
0x14f: {  	v61 =	vmul.f32 $1.442695020e+00, v63;
	v60 =	vmul.f32 v45, v49;
	v31 =	vpop (erf)  }
0x150: {  	v63 =	vmul.f32 $4.000000000e+00, v39;
	(erf) = vpow2.f32 v52;
	v43 =	vadd.f32 v43, v31  }
0x151: {  	v32 =	vmul.f32 $1.442695020e+00, v32;
	v40 =	vpop (erf);
	(erf) = vpow2.f32 v61  }
0x152: {  	v57 =	vmul.f32 $1.442695020e+00, v63;
	v39 =	vpop (erf);
	(erf) = vpow2.f32 v62  }
0x153: {  	v7 =	vmul.f32 $1.442695020e+00, v7;
	v46 =	vadd.f32 v55, v53;
	[tilespmem:s15+$0xF0] =	vst v60;
	v60 =	vpop (erf);
	(erf) = vpow2.f32 v32  }
0x154: {  	v51 =	vadd.f32 v36, v34;
	v61 =	vadd.f32 v43, v60;
	v43 =	vpop (erf);
	(erf) = vpow2.f32 v57  }
0x155: {  	v8 =	vmul.f32 $1.442695020e+00, v8;
	v46 =	vadd.f32 v46, v48;
	v42 =	vpop (erf);
	(erf) = vpow2.f32 v44  }
0x156: {  	v51 =	vadd.f32 v51, v37;
	(erf) = vpow2.f32 v7  }
0x157: {  	v46 =	vadd.f32 v46, v40;
	(erf) = vpow2.f32 v8;
	v8 =	vmul.f32 v47, v19  }
0x158: {  	s14 =	sadd.s32 $0x4, s14;
	v33 =	vmul.f32 v47, v33;
	v7 =	vmul.f32 v47, v17  }
0x159: {  	p0 =	slt.u32 s14, $0x3C;
	v58 =	vadd.f32 v51, v39;
	[tilespmem:s12+$0xFFFFFF50] =	vst v8;
	v8 =	vmul.f32 v47, v35;
	v47 =	vmul.f32 v29, v15;
	v15 =	vld [tilespmem:$0x1FF00]  }
.Ltmp0:
0x15a: {  	v19 =	vpop (erf);
	(pc) =	sbr.rel @p0 .LBB2_2-.Ltmp0, $4  }
0x15b: {  	v63 =	vmul.f32 $1.442695020e+00, v59;
	v62 =	vadd.f32 v46, v43;
	v50 =	vadd.f32 v58, v42;
	v46 =	vpop (erf)  }
0x15c: {  	[tilespmem:s12+$0xFFFFFF60] =	vst v33;
	v49 =	vmul.f32 v29, v41;
	v52 =	vmul.f32 v29, v16;
	v51 =	vadd.f32 v61, v19;
	v44 =	vpop (erf)  }
0x15d: {  	v16 =	vmovc v53;
	(erf) = vpow2.f32 v63;
	[tilespmem:s12+$0xFFFFFF40] =	vst v7;
	v32 =	vadd.f32 v62, v46;
	v7 =	vadd.f32 v50, v44  }
0x15e: {  	s13 =	smov.u32 s15;
	s15 =	sadd.s32 $0x200, s15;
	v17 =	vmovc v60;
	v50 =	vmul.f32 v29, v38;
	[tilespmem:s12+$0xFFFFFF70] =	vst v8;
	v35 =	vmul.f32 v29, v15;
	v15 =	vmov v55  }
0x15f: {  	v8 =	vpop (erf)  }
0x160: {  	v33 =	vpop (erf)  }
0x161: {  	v38 =	vadd.f32 v51, v8;
	v41 =	vpop (erf)  }
0x162: {  	v51 =	vpop (erf)  }
0x163: {  	v38 =	vadd.f32 v38, v51;
	_ =	sdelay $0x1  }
0x164: {  	v53 =	vperm.xlane v38, v0  }
0x165: {  	[tilespmem:s12+$0xFFFFFF80] =	vst v52  }
0x166: {  	[tilespmem:s12+$0xFFFFFF90] =	vst v47;
	v38 =	vadd.f32 v38, v53  }
0x167: {  	[tilespmem:s12+$0xFFFFFFC0] =	vst v49;
	v32 =	vadd.f32 v32, v33  }
0x168: {  	v14 =	vmul.f32 v29, v14;
	[tilespmem:s12+$0xFFFFFFA0] =	vst v35;
	v52 =	vpop (erf);
	v53 =	vperm.xlane v38, v1  }
0x169: {  	[tilespmem:s12+$0xFFFFFFB0] =	vst v50;
	v32 =	vadd.f32 v32, v52  }
0x16a: {  	[tilespmem:s12+$0xFFFFFFD0] =	vst v14;
	v38 =	vadd.f32 v38, v53  }
0x16b: {  	v5 =	vmul.f32 v29, v5;
	v55 =	vld [tilespmem:$0x1FF10];
	v63 =	vperm.xlane v32, v0  }
0x16c: {  	v6 =	vmul.f32 v29, v6;
	v50 =	vperm.xlane v38, v2  }
0x16d: {  	v56 =	vmul.f32 v18, v9;
	[tilespmem:s12+$0xFFFFFFE0] =	vst v5;
	v53 =	vadd.f32 v32, v63  }
0x16e: {  	v58 =	vmul.f32 v18, v11;
	[tilespmem:s12+$0xFFFFFFF0] =	vst v6;
	v54 =	vadd.f32 v38, v50  }
0x16f: {  	v10 =	vmul.f32 v18, v10;
	[tilespmem:s12+$0x10] =	vst v56;
	v57 =	vperm.xlane v53, v1  }
0x170: {  	v7 =	vadd.f32 v7, v41;
	[tilespmem:s12+$0x20] =	vst v58;
	v32 =	vmul.f32 v18, v55;
	v38 =	vperm.xlane v54, v3  }
0x171: {  	[tilespmem:s12+$0x30] =	vst v10;
	v5 =	vpop (erf);
	v6 =	vadd.f32 v53, v57  }
0x172: {  	v12 =	vmul.f32 v18, v12;
	v7 =	vadd.f32 v7, v5;
	[tilespmem:s12+$0x0] =	vst v32;
	v59 =	vadd.f32 v54, v38  }
0x173: {  	v13 =	vmul.f32 v18, v13;
	v10 =	vld [tilespmem:$0x1FF20];
	v61 =	vperm.xlane v6, v2  }
0x174: {  	v60 =	vperm.xlane v7, v0;
	(erf) = vrcp.f32 v59  }
0x175: {  	v4 =	vmul.f32 v18, v4;
	[tilespmem:s12+$0x40] =	vst v12;
	v6 =	vadd.f32 v6, v61  }
0x176: {  	v62 =	vmul.f32 v45, v25;
	v7 =	vadd.f32 v7, v60;
	v63 =	vmul.f32 v45, v23;
	[tilespmem:s12+$0x50] =	vst v13  }
0x177: {  	v23 =	vmul.f32 v45, v21;
	[tilespmem:s12+$0x70] =	vst v4;
	v4 =	vperm.xlane v6, v3  }
0x178: {  	[tilespmem:s13+$0x80] =	vst v62;
	v10 =	vmul.f32 v18, v10;
	v18 =	vperm.xlane v7, v1  }
0x179: {  	v24 =	vmul.f32 v45, v24;
	[tilespmem:s13+$0x90] =	vst v63;
	v4 =	vadd.f32 v6, v4  }
0x17a: {  	v25 =	vmul.f32 v45, v22;
	[tilespmem:s13+$0xA0] =	vst v23;
	v7 =	vadd.f32 v7, v18  }
0x17b: {  	v29 =	vmul.f32 v45, v26;
	[tilespmem:s13+$0xB0] =	vst v24;
	(erf) = vrcp.f32 v4  }
0x17c: {  	[tilespmem:s13+$0xC0] =	vst v25;
	v32 =	vperm.xlane v7, v2  }
0x17d: {  	[tilespmem:s13+$0xD0] =	vst v29;
	v4 =	vmul.f32 v45, v20;
	v35 =	vpop (erf)  }
0x17e: {  	[tilespmem:s12+$0x60] =	vst v10;
	v7 =	vadd.f32 v7, v32;
	v38 =	vmul.f32 v35, v28  }
0x17f: {  	[tilespmem:s13+$0xE0] =	vst v4;
	v4 =	vmul.f32 v35, v27  }
0x180: {  	v45 =	vperm.xlane v7, v3;
	v47 =	vmul.f32 v35, v30;
	[tilespmem:s13+$0xFFFFFF00] =	vst v38  }
0x181: {  	v49 =	vmul.f32 v35, v17;
	[tilespmem:s13+$0xFFFFFF10] =	vst v4  }
0x182: {  	v7 =	vadd.f32 v7, v45;
	v4 =	vmul.f32 v35, v31;
	[tilespmem:s13+$0xFFFFFF20] =	vst v47  }
0x183: {  	v50 =	vmul.f32 v35, v8;
	[tilespmem:s13+$0xFFFFFF40] =	vst v49  }
0x184: {  	(erf) = vrcp.f32 v7;
	v53 =	vpop (erf);
	[tilespmem:s13+$0xFFFFFF30] =	vst v4;
	v4 =	vmul.f32 v35, v19  }
0x185: {  	[tilespmem:s13+$0xFFFFFF60] =	vst v50;
	v54 =	vmul.f32 v53, v16  }
0x186: {  	v55 =	vmul.f32 v53, v15;
	[tilespmem:s13+$0xFFFFFF50] =	vst v4  }
0x187: {  	v56 =	vmul.f32 v53, v40;
	[tilespmem:s13+$0xFFFFFF80] =	vst v54  }
0x188: {  	v57 =	vmul.f32 v53, v43;
	[tilespmem:s13+$0xFFFFFF90] =	vst v55  }
0x189: {  	v4 =	vmul.f32 v35, v51;
	[tilespmem:s13+$0xFFFFFFB0] =	vst v56  }
0x18a: {  	v58 =	vmul.f32 v53, v33;
	[tilespmem:s13+$0xFFFFFFC0] =	vst v57  }
0x18b: {  	[tilespmem:s13+$0xFFFFFF70] =	vst v4;
	v4 =	vmul.f32 v53, v48  }
0x18c: {  	v8 =	vmul.f32 v53, v52;
	[tilespmem:s13+$0xFFFFFFE0] =	vst v58  }
0x18d: {  	v59 =	vpop (erf);
	[tilespmem:s13+$0xFFFFFFA0] =	vst v4;
	v4 =	vmul.f32 v53, v46  }
0x18e: {  	[tilespmem:s13+$0xFFFFFFF0] =	vst v8;
	v60 =	vmul.f32 v59, v36  }
0x18f: {  	v61 =	vmul.f32 v59, v37;
	[tilespmem:s13+$0xFFFFFFD0] =	vst v4  }
0x190: {  	v62 =	vmul.f32 v59, v42;
	[tilespmem:s13+$0x10] =	vst v60  }
0x191: {  	v4 =	vmul.f32 v59, v34;
	[tilespmem:s13+$0x20] =	vst v61  }
0x192: {  	v63 =	vmul.f32 v59, v44;
	[tilespmem:s13+$0x40] =	vst v62  }
0x193: {  	[tilespmem:s13+$0x0] =	vst v4;
	v4 =	vmul.f32 v59, v39  }
0x194: {  	v5 =	vmul.f32 v59, v5;
	[tilespmem:s13+$0x50] =	vst v63  }
0x195: {  	s11 =	sadd.s32 $0x1, s11;
	[tilespmem:s13+$0x30] =	vst v4;
	v4 =	vmul.f32 v59, v41  }
0x196: {  	p0 =	sne.s32 s11, s6;
	[tilespmem:s13+$0x70] =	vst v5  }
.Ltmp1:
0x197: {  	[tilespmem:s13+$0x60] =	vst v4;
	(pc) =	sbr.rel @p0 .LBB2_1-.Ltmp1, $4  }
0x198: {  	[hbm4b:s5+s3] =	stream.linear.scatter [tilespmem:s9], [sflag:$0x2], $0x2000, $0x38;
	[tilespmem:$0x2080] =	vst v63  }
0x199: {  	_ =	swait.ge [sflag:s7], $0x2000  }
0x19a: {  	[sflag:s7] =	ssyncset.done $0x0  }
0x19b: {  	[sflag:s7] =	ssyncadd.s32 $0xFFFFE000  }
0x19c: {  	_ =	sfence.sel $0x180000  }
0x19d: {  	[bflag:$0x0] =	sbarrier.arrive $0xFFFF  }
0x19e: {  	p0 =	sne.s32 s2, $0x0;
	_ =	strace $0x90000047  }
0x19f: {  	s0 =	sadd.s32 @!p0 $0x100000, s0;
	[bflag:$0x2] =	sbarrier.arrive $0xFFFF  }
0x1a0: {  	[sflag:s0] =	ssyncadd.tile.s32 @!p0 $0x1;
	_ =	shalt  }
.Lfunc_end2:
_tile_overlayer_lowered:
.L_overlay_start_2:
0x1a1: {  	(tag) =	ssettag $0x2  }
0x1a2: {  	s0 =	rddreg [dreg:$0x0];
	s2 =	stileid.u32  }
0x1a3: {  	s1 =	rddreg [dreg:$0x1];
	p0 =	sne.s32 s2, $0x0  }
0x1a4: {  	s3 =	rddreg [dreg:$0x2];
	[bflag:$0x3] =	sbarrier.arrive $0xFFFF;
	s2 =	simm.s32 @!p0 $0x1C02  }
0x1a5: {  	[timem:s3], [sflag:s2] =	dma.local @!p0 [hbm:s0], s1  }
0x1a6: {  	s0 =	simm.s32 @!p0 $0x2  }
0x1a7: {  	_ =	swait.ge @!p0 [sflag:s0], s1  }
0x1a8: {  	s1 =	ssub.s32 @!p0 $0x0, s1;
	[sflag:s0] =	ssyncset.done @!p0 $0x0  }
0x1a9: {  	[sflag:s0] =	ssyncadd.s32 @!p0 s1  }
0x1aa: {  	[bflag:$0x3] =	sbarrier.arrive $0xFFFF  }
0x1ab: {  	_ =	shalt  }

</sc_bundles>
